<compile_context>
chip_gen: v7x
topology: tpu7x:2x2x1
jax: 0.10.2.dev20260603
libtpu: 0.0.44.dev20260713+nightly
codegen_flags: <defaults>
</compile_context>

<pallas_src>
import functools

import jax
import jax.numpy as jnp
from jax import lax
from jax.experimental import pallas as pl
from jax.experimental.pallas import tpu as pltpu
from jax.experimental.pallas import tpu_sc as plsc

C, H, W = 19, 512, 512
HW = H * W
K = 100
KPAD = 112
D = 128
NC, NS = 2, 16
THRES = 0.1
NEG = -1.0


def _scores_topk_body(x_ref, svals_ref, scats_ref, ssp_ref,
                      score_ref, bm_ref, rawv_ref, rawi_ref):
    c = pl.program_id(0)
    x = x_ref[0, 0]

    s = 1.0 / (1.0 + jnp.exp(-x))

    zcol = jnp.zeros((H, 1), jnp.float32)
    zrow = jnp.zeros((1, W), jnp.float32)
    rs = s + jnp.concatenate([s[:, 1:], zcol], axis=1) \
           + jnp.concatenate([zcol, s[:, :-1]], axis=1)
    sum9 = rs + jnp.concatenate([rs[1:, :], zrow], axis=0) \
              + jnp.concatenate([zrow, rs[:-1, :]], axis=0)
    cent = (s + sum9 * (1.0 / 9.0)) * 0.5

    ninf = jnp.float32(-jnp.inf)
    icol = jnp.full((H, 1), ninf)
    irow = jnp.full((1, W), ninf)
    mw = jnp.maximum(cent,
                     jnp.maximum(jnp.concatenate([cent[:, 1:], icol], axis=1),
                                 jnp.concatenate([icol, cent[:, :-1]], axis=1)))
    m3 = jnp.maximum(mw,
                     jnp.maximum(jnp.concatenate([mw[1:, :], irow], axis=0),
                                 jnp.concatenate([irow, mw[:-1, :]], axis=0)))
    score = jnp.where(m3 == cent, cent, 0.0)

    r0 = pl.multiple_of(c * H, H)
    score_ref[pl.ds(r0, H), :] = score

    s1 = jnp.max(score.reshape(H // 8, 8, W), axis=1)
    bm_c = jnp.max(s1, axis=1)
    bm_ref[pl.ds(c, 1)] = bm_c.reshape(1, H // 8)

    @pl.when(c == C - 1)
    def _extract():
        lane = lax.broadcasted_iota(jnp.int32, (1, 128), 1)
        rawv_ref[...] = jnp.zeros((1, 128), jnp.float32)
        rawi_ref[...] = jnp.zeros((1, 128), jnp.int32)

        bflat = (lax.broadcasted_iota(jnp.int32, (C, H // 8), 0) * (H // 8)
                 + lax.broadcasted_iota(jnp.int32, (C, H // 8), 1))
        ib = (lax.broadcasted_iota(jnp.int32, (8, W), 0) * W
              + lax.broadcasted_iota(jnp.int32, (8, W), 1))

        def body(i, carry):
            bm = bm_ref[...]
            m = jnp.max(bm)
            bsel = jnp.min(jnp.where(bm == m, bflat, jnp.int32(1 << 30)))
            tr0 = pl.multiple_of(bsel * 8, 8)
            blk = score_ref[pl.ds(tr0, 8), :]
            v = jnp.max(blk)
            pos = jnp.min(jnp.where(blk == v, ib, jnp.int32(1 << 30)))
            gidx = tr0 * W + pos
            blk_new = jnp.where(ib == pos, NEG, blk)
            score_ref[pl.ds(tr0, 8), :] = blk_new
            bm_ref[...] = jnp.where(bflat == bsel, jnp.max(blk_new), bm)
            rawv_ref[...] = jnp.where(lane == i, v, rawv_ref[...])
            rawi_ref[...] = jnp.where(lane == i, gidx, rawi_ref[...])
            return carry

        lax.fori_loop(0, K, body, 0)

        vals = rawv_ref[...]
        idx = rawi_ref[...]
        valid = lane < K
        keep = jnp.logical_and(vals > THRES, valid)
        svals_ref[...] = jnp.where(keep, vals, 0.0)
        scats_ref[...] = jnp.where(keep, idx // HW, 0)
        sp = jnp.where(valid, idx % HW, 0)
        spb = jnp.transpose(jnp.broadcast_to(sp, (128, 128)))
        dmat = lax.broadcasted_iota(jnp.int32, (128, 128), 1) * HW
        ssp_ref[...] = spb + dmat


def _detect(thing_map):
    return pl.pallas_call(
        _scores_topk_body,
        grid=(C,),
        in_specs=[pl.BlockSpec((1, 1, H, W), lambda c: (0, c, 0, 0))],
        out_specs=[
            pl.BlockSpec((1, 128), lambda c: (0, 0)),
            pl.BlockSpec((1, 128), lambda c: (0, 0)),
            pl.BlockSpec((128, 128), lambda c: (0, 0)),
        ],
        out_shape=[
            jax.ShapeDtypeStruct((1, 128), jnp.float32),
            jax.ShapeDtypeStruct((1, 128), jnp.int32),
            jax.ShapeDtypeStruct((128, 128), jnp.int32),
        ],
        scratch_shapes=[
            pltpu.VMEM((C * H, W), jnp.float32),
            pltpu.VMEM((C, H // 8), jnp.float32),
            pltpu.VMEM((1, 128), jnp.float32),
            pltpu.VMEM((1, 128), jnp.int32),
        ],
        compiler_params=pltpu.CompilerParams(
            dimension_semantics=("arbitrary",)),
    )(thing_map)


def _sc_gather_body(kflat_hbm, addr_hbm, out_hbm, addr_v, row_v, sem):
    w = lax.axis_index("s") * NC + lax.axis_index("c")
    for j in range(128 // (NC * NS)):
        k = w * (128 // (NC * NS)) + j
        pltpu.sync_copy(addr_hbm.at[k], addr_v)
        pltpu.async_copy(kflat_hbm.at[addr_v], row_v, sem).wait()
        pltpu.sync_copy(row_v, out_hbm.at[k])


def _sc_gather(kflat, addr):
    mesh = plsc.VectorSubcoreMesh(core_axis_name="c", subcore_axis_name="s")
    f = functools.partial(
        pl.kernel,
        mesh=mesh,
        out_type=jax.ShapeDtypeStruct((128, D), jnp.float32),
        scratch_types=[
            pltpu.VMEM((D,), jnp.int32),
            pltpu.VMEM((D,), jnp.float32),
            pltpu.SemaphoreType.DMA,
        ],
    )(_sc_gather_body)
    return f(kflat, addr)


def kernel(thing_map, kernel_space):
    svals, scats, addr = _detect(thing_map)
    kflat = kernel_space.reshape(D * HW)
    rows = _sc_gather(kflat, addr)
    kernels = rows[:K][None]
    scores = svals[:, :K]
    cats = scats[:, :K]
    return kernels, cats, scores

# --- scband reference (transcript-rebuilt; emitter-appended) ---
"""Pipeline reference for scband-inference-pipeline-6107443495378 (READ-ONLY COPY).

The authoritative reference and input builder live on the scoring server;
editing this copy changes nothing except your own understanding.
"""

import jax, jax.numpy as jnp
import numpy as np

CENTER_TOP_NUM = 200
CENTER_THRES = 0.1

def _avg_pool3(x):
    # torch avg_pool2d(kernel=3, stride=1, pad=1, count_include_pad=True)
    s = jax.lax.reduce_window(x, 0.0, jax.lax.add, (1, 1, 3, 3), (1, 1, 1, 1),
                              [(0, 0), (0, 0), (1, 1), (1, 1)])
    return s / 9.0

def _max_pool3(x):
    return jax.lax.reduce_window(x, -jnp.inf, jax.lax.max, (1, 1, 3, 3), (1, 1, 1, 1),
                                 [(0, 0), (0, 0), (1, 1), (1, 1)])

def setup_inputs(seed: int = 0) -> dict:
    key = jax.random.key(seed)
    k1, k2 = jax.random.split(key)
    thing_map = jax.random.normal(k1, (1, 19, 512, 512), dtype=jnp.float32)
    kernel_space = jax.random.normal(k2, (1, 128, 512, 512), dtype=jnp.float32)
    return {"thing_map": thing_map, "kernel_space": kernel_space}

def reference(thing_map, kernel_space):
    B, C, H, W = thing_map.shape
    # peak detection (centernet-style NMS via max-pool)
    centers = jax.nn.sigmoid(thing_map)
    centers = (centers + _avg_pool3(centers)) / 2.0
    fmap_max = _max_pool3(centers)
    peak = (fmap_max == centers).astype(centers.dtype)
    centers = centers * peak
    # top-k over flattened (class, h, w) score map
    K = min(H * W, CENTER_TOP_NUM // 2)
    flat = centers.reshape(B, C * H * W)
    sub_score, sub_index = jax.lax.top_k(flat, K)
    sub_class = sub_index // (H * W)
    sp_index = sub_index % (H * W)
    # fixed-size analogue of masked_select: zero-out below-threshold detections
    keep = (sub_score > CENTER_THRES).astype(sub_score.dtype)
    scores = sub_score * keep
    cats = sub_class * keep.astype(sub_class.dtype)
    # sample kernels from kernel space at detected peaks
    dims = kernel_space.shape[1]
    k_space = kernel_space.reshape(B, dims, H * W)
    k = jnp.take_along_axis(k_space, sp_index[:, None, :], axis=2)  # [B, dims, K]
    kernels = jnp.transpose(k, (0, 2, 1))  # [B, K, dims]
    # sort by descending score
    order = jnp.argsort(-scores, axis=1)
    scores = jnp.take_along_axis(scores, order, axis=1)
    cats = jnp.take_along_axis(cats, order, axis=1)
    kernels = jnp.take_along_axis(kernels, order[:, :, None], axis=1)
    return kernels, cats, scores

if __name__ == "__main__":
    import jax
    _d = setup_inputs()
    print(jax.jit(kernel)(*tuple(_d.values())))

</pallas_src>

<mosaic_0001>
#map = affine_map<(d0, d1) -> (0)>
#map1 = affine_map<(d0, d1) -> (0, 0)>
module attributes {stable_mosaic.version = 14 : i64} {
  func.func @_sc_gather_body(%arg0: i32, %arg1: i32, %arg2: memref<33554432xf32, #tpu.memory_space<hbm>>, %arg3: memref<128x128xi32, #tpu.memory_space<hbm>>, %arg4: memref<128x128xf32, #tpu.memory_space<hbm>>, %arg5: memref<128xi32, #tpu.memory_space<vmem>>, %arg6: memref<128xf32, #tpu.memory_space<vmem>>, %arg7: memref<!tpu.dma_semaphore, #tpu.memory_space<semaphore_mem>>) attributes {dimension_semantics = [#tpu.dimension_semantics<core_parallel>, #tpu.dimension_semantics<subcore_parallel>], iteration_bounds = array<i64: 2, 16>, scalar_prefetch = 0 : i64, scratch_operands = 3 : i64, tpu.core_type = #tpu.core_type<sc_vector_subcore>, window_params = [{transform_indices = #map}, {transform_indices = #map1}, {transform_indices = #map1}]} {
    %mul3A = arith.constant 2 : i32
    %mul3A_0 = arith.muli %arg1, %mul3A : i32
    %add3A = arith.addi %mul3A_0, %arg0 : i32
    %mul3A_1 = arith.constant 4 : i32
    %mul3A_2 = arith.muli %add3A, %mul3A_1 : i32
    %add3A_3 = arith.constant 0 : i32
    %add3A_4 = arith.addi %mul3A_2, %add3A_3 : i32
    "tpu.region"() ({
      %run_scoped3A = tpu.sem_alloc : memref<!tpu.dma_semaphore, #tpu.memory_space<semaphore_mem>>
      %dma_start3A_31 = arith.constant 0 : i32
      %dma_start3A_32 = tpu.memref_slice %arg3[%add3A_4, %dma_start3A_31] : memref<128x128xi32, #tpu.memory_space<hbm>> -> memref<1x128xi32, #tpu.memory_space<hbm>>
      %dma_start3A_33 = tpu.memref_squeeze %dma_start3A_32 : memref<1x128xi32, #tpu.memory_space<hbm>> -> memref<128xi32, #tpu.memory_space<hbm>>
      %dma_start3A_34 = arith.constant 0 : i32
      %dma_start3A_35 = tpu.memref_slice %arg3[%add3A_4, %dma_start3A_34] : memref<128x128xi32, #tpu.memory_space<hbm>> -> memref<1x128xi32, #tpu.memory_space<hbm>>
      %dma_start3A_36 = tpu.memref_squeeze %dma_start3A_35 : memref<1x128xi32, #tpu.memory_space<hbm>> -> memref<128xi32, #tpu.memory_space<hbm>>
      tpu.enqueue_dma source(%dma_start3A_36 : memref<128xi32, #tpu.memory_space<hbm>>) target(%arg5 : memref<128xi32, #tpu.memory_space<vmem>>) target_semaphore(%run_scoped3A : memref<!tpu.dma_semaphore, #tpu.memory_space<semaphore_mem>>)
      %dma_wait3A_37 = arith.constant 0 : i32
      %dma_wait3A_38 = tpu.memref_slice %arg3[%add3A_4, %dma_wait3A_37] : memref<128x128xi32, #tpu.memory_space<hbm>> -> memref<1x128xi32, #tpu.memory_space<hbm>>
      %dma_wait3A_39 = tpu.memref_squeeze %dma_wait3A_38 : memref<1x128xi32, #tpu.memory_space<hbm>> -> memref<128xi32, #tpu.memory_space<hbm>>
      %dma_wait3A_40 = arith.constant 0 : i32
      %dma_wait3A_41 = tpu.memref_slice %arg3[%add3A_4, %dma_wait3A_40] : memref<128x128xi32, #tpu.memory_space<hbm>> -> memref<1x128xi32, #tpu.memory_space<hbm>>
      %dma_wait3A_42 = tpu.memref_squeeze %dma_wait3A_41 : memref<1x128xi32, #tpu.memory_space<hbm>> -> memref<128xi32, #tpu.memory_space<hbm>>
      tpu.wait_dma2 semaphore(%run_scoped3A : memref<!tpu.dma_semaphore, #tpu.memory_space<semaphore_mem>>) src(%dma_wait3A_42 : memref<128xi32, #tpu.memory_space<hbm>>) dst(%arg5 : memref<128xi32, #tpu.memory_space<vmem>>)
      tpu.yield
    }) : () -> ()
    %dma_start3A = arith.constant 0 : i32
    %dma_start3A_5 = tpu.memref_slice %arg2[%dma_start3A] : memref<33554432xf32, #tpu.memory_space<hbm>> -> memref<33554432xf32, #tpu.memory_space<hbm>>
    tpu.enqueue_indirect_dma source(%dma_start3A_5 : memref<33554432xf32, #tpu.memory_space<hbm>>) target(%arg6 : memref<128xf32, #tpu.memory_space<vmem>>) offsets(%arg5 : memref<128xi32, #tpu.memory_space<vmem>>) semaphore(%arg7 : memref<!tpu.dma_semaphore, #tpu.memory_space<semaphore_mem>>)
    %dma_wait3A = arith.constant 0 : i32
    %dma_wait3A_6 = tpu.memref_slice %arg2[%dma_wait3A] : memref<33554432xf32, #tpu.memory_space<hbm>> -> memref<33554432xf32, #tpu.memory_space<hbm>>
    tpu.wait_indirect_dma semaphore(%arg7 : memref<!tpu.dma_semaphore, #tpu.memory_space<semaphore_mem>>) src(%dma_wait3A_6 : memref<33554432xf32, #tpu.memory_space<hbm>>) dst(%arg6 : memref<128xf32, #tpu.memory_space<vmem>>)
    "tpu.region"() ({
      %run_scoped3A = tpu.sem_alloc : memref<!tpu.dma_semaphore, #tpu.memory_space<semaphore_mem>>
      %dma_start3A_31 = arith.constant 0 : i32
      %dma_start3A_32 = tpu.memref_slice %arg4[%add3A_4, %dma_start3A_31] : memref<128x128xf32, #tpu.memory_space<hbm>> -> memref<1x128xf32, #tpu.memory_space<hbm>>
      %dma_start3A_33 = tpu.memref_squeeze %dma_start3A_32 : memref<1x128xf32, #tpu.memory_space<hbm>> -> memref<128xf32, #tpu.memory_space<hbm>>
      %dma_start3A_34 = arith.constant 0 : i32
      %dma_start3A_35 = tpu.memref_slice %arg4[%add3A_4, %dma_start3A_34] : memref<128x128xf32, #tpu.memory_space<hbm>> -> memref<1x128xf32, #tpu.memory_space<hbm>>
      %dma_start3A_36 = tpu.memref_squeeze %dma_start3A_35 : memref<1x128xf32, #tpu.memory_space<hbm>> -> memref<128xf32, #tpu.memory_space<hbm>>
      tpu.enqueue_dma source(%arg6 : memref<128xf32, #tpu.memory_space<vmem>>) target(%dma_start3A_36 : memref<128xf32, #tpu.memory_space<hbm>>) target_semaphore(%run_scoped3A : memref<!tpu.dma_semaphore, #tpu.memory_space<semaphore_mem>>)
      %dma_wait3A_37 = arith.constant 0 : i32
      %dma_wait3A_38 = tpu.memref_slice %arg4[%add3A_4, %dma_wait3A_37] : memref<128x128xf32, #tpu.memory_space<hbm>> -> memref<1x128xf32, #tpu.memory_space<hbm>>
      %dma_wait3A_39 = tpu.memref_squeeze %dma_wait3A_38 : memref<1x128xf32, #tpu.memory_space<hbm>> -> memref<128xf32, #tpu.memory_space<hbm>>
      %dma_wait3A_40 = arith.constant 0 : i32
      %dma_wait3A_41 = tpu.memref_slice %arg4[%add3A_4, %dma_wait3A_40] : memref<128x128xf32, #tpu.memory_space<hbm>> -> memref<1x128xf32, #tpu.memory_space<hbm>>
      %dma_wait3A_42 = tpu.memref_squeeze %dma_wait3A_41 : memref<1x128xf32, #tpu.memory_space<hbm>> -> memref<128xf32, #tpu.memory_space<hbm>>
      tpu.wait_dma2 semaphore(%run_scoped3A : memref<!tpu.dma_semaphore, #tpu.memory_space<semaphore_mem>>) src(%arg6 : memref<128xf32, #tpu.memory_space<vmem>>) dst(%dma_wait3A_42 : memref<128xf32, #tpu.memory_space<hbm>>)
      tpu.yield
    }) : () -> ()
    %mul3A_7 = arith.constant 4 : i32
    %mul3A_8 = arith.muli %add3A, %mul3A_7 : i32
    %add3A_9 = arith.constant 1 : i32
    %add3A_10 = arith.addi %mul3A_8, %add3A_9 : i32
    "tpu.region"() ({
      %run_scoped3A = tpu.sem_alloc : memref<!tpu.dma_semaphore, #tpu.memory_space<semaphore_mem>>
      %dma_start3A_31 = arith.constant 0 : i32
      %dma_start3A_32 = tpu.memref_slice %arg3[%add3A_10, %dma_start3A_31] : memref<128x128xi32, #tpu.memory_space<hbm>> -> memref<1x128xi32, #tpu.memory_space<hbm>>
      %dma_start3A_33 = tpu.memref_squeeze %dma_start3A_32 : memref<1x128xi32, #tpu.memory_space<hbm>> -> memref<128xi32, #tpu.memory_space<hbm>>
      %dma_start3A_34 = arith.constant 0 : i32
      %dma_start3A_35 = tpu.memref_slice %arg3[%add3A_10, %dma_start3A_34] : memref<128x128xi32, #tpu.memory_space<hbm>> -> memref<1x128xi32, #tpu.memory_space<hbm>>
      %dma_start3A_36 = tpu.memref_squeeze %dma_start3A_35 : memref<1x128xi32, #tpu.memory_space<hbm>> -> memref<128xi32, #tpu.memory_space<hbm>>
      tpu.enqueue_dma source(%dma_start3A_36 : memref<128xi32, #tpu.memory_space<hbm>>) target(%arg5 : memref<128xi32, #tpu.memory_space<vmem>>) target_semaphore(%run_scoped3A : memref<!tpu.dma_semaphore, #tpu.memory_space<semaphore_mem>>)
      %dma_wait3A_37 = arith.constant 0 : i32
      %dma_wait3A_38 = tpu.memref_slice %arg3[%add3A_10, %dma_wait3A_37] : memref<128x128xi32, #tpu.memory_space<hbm>> -> memref<1x128xi32, #tpu.memory_space<hbm>>
      %dma_wait3A_39 = tpu.memref_squeeze %dma_wait3A_38 : memref<1x128xi32, #tpu.memory_space<hbm>> -> memref<128xi32, #tpu.memory_space<hbm>>
      %dma_wait3A_40 = arith.constant 0 : i32
      %dma_wait3A_41 = tpu.memref_slice %arg3[%add3A_10, %dma_wait3A_40] : memref<128x128xi32, #tpu.memory_space<hbm>> -> memref<1x128xi32, #tpu.memory_space<hbm>>
      %dma_wait3A_42 = tpu.memref_squeeze %dma_wait3A_41 : memref<1x128xi32, #tpu.memory_space<hbm>> -> memref<128xi32, #tpu.memory_space<hbm>>
      tpu.wait_dma2 semaphore(%run_scoped3A : memref<!tpu.dma_semaphore, #tpu.memory_space<semaphore_mem>>) src(%dma_wait3A_42 : memref<128xi32, #tpu.memory_space<hbm>>) dst(%arg5 : memref<128xi32, #tpu.memory_space<vmem>>)
      tpu.yield
    }) : () -> ()
    %dma_start3A_11 = arith.constant 0 : i32
    %dma_start3A_12 = tpu.memref_slice %arg2[%dma_start3A_11] : memref<33554432xf32, #tpu.memory_space<hbm>> -> memref<33554432xf32, #tpu.memory_space<hbm>>
    tpu.enqueue_indirect_dma source(%dma_start3A_12 : memref<33554432xf32, #tpu.memory_space<hbm>>) target(%arg6 : memref<128xf32, #tpu.memory_space<vmem>>) offsets(%arg5 : memref<128xi32, #tpu.memory_space<vmem>>) semaphore(%arg7 : memref<!tpu.dma_semaphore, #tpu.memory_space<semaphore_mem>>)
    %dma_wait3A_13 = arith.constant 0 : i32
    %dma_wait3A_14 = tpu.memref_slice %arg2[%dma_wait3A_13] : memref<33554432xf32, #tpu.memory_space<hbm>> -> memref<33554432xf32, #tpu.memory_space<hbm>>
    tpu.wait_indirect_dma semaphore(%arg7 : memref<!tpu.dma_semaphore, #tpu.memory_space<semaphore_mem>>) src(%dma_wait3A_14 : memref<33554432xf32, #tpu.memory_space<hbm>>) dst(%arg6 : memref<128xf32, #tpu.memory_space<vmem>>)
    "tpu.region"() ({
      %run_scoped3A = tpu.sem_alloc : memref<!tpu.dma_semaphore, #tpu.memory_space<semaphore_mem>>
      %dma_start3A_31 = arith.constant 0 : i32
      %dma_start3A_32 = tpu.memref_slice %arg4[%add3A_10, %dma_start3A_31] : memref<128x128xf32, #tpu.memory_space<hbm>> -> memref<1x128xf32, #tpu.memory_space<hbm>>
      %dma_start3A_33 = tpu.memref_squeeze %dma_start3A_32 : memref<1x128xf32, #tpu.memory_space<hbm>> -> memref<128xf32, #tpu.memory_space<hbm>>
      %dma_start3A_34 = arith.constant 0 : i32
      %dma_start3A_35 = tpu.memref_slice %arg4[%add3A_10, %dma_start3A_34] : memref<128x128xf32, #tpu.memory_space<hbm>> -> memref<1x128xf32, #tpu.memory_space<hbm>>
      %dma_start3A_36 = tpu.memref_squeeze %dma_start3A_35 : memref<1x128xf32, #tpu.memory_space<hbm>> -> memref<128xf32, #tpu.memory_space<hbm>>
      tpu.enqueue_dma source(%arg6 : memref<128xf32, #tpu.memory_space<vmem>>) target(%dma_start3A_36 : memref<128xf32, #tpu.memory_space<hbm>>) target_semaphore(%run_scoped3A : memref<!tpu.dma_semaphore, #tpu.memory_space<semaphore_mem>>)
      %dma_wait3A_37 = arith.constant 0 : i32
      %dma_wait3A_38 = tpu.memref_slice %arg4[%add3A_10, %dma_wait3A_37] : memref<128x128xf32, #tpu.memory_space<hbm>> -> memref<1x128xf32, #tpu.memory_space<hbm>>
      %dma_wait3A_39 = tpu.memref_squeeze %dma_wait3A_38 : memref<1x128xf32, #tpu.memory_space<hbm>> -> memref<128xf32, #tpu.memory_space<hbm>>
      %dma_wait3A_40 = arith.constant 0 : i32
      %dma_wait3A_41 = tpu.memref_slice %arg4[%add3A_10, %dma_wait3A_40] : memref<128x128xf32, #tpu.memory_space<hbm>> -> memref<1x128xf32, #tpu.memory_space<hbm>>
      %dma_wait3A_42 = tpu.memref_squeeze %dma_wait3A_41 : memref<1x128xf32, #tpu.memory_space<hbm>> -> memref<128xf32, #tpu.memory_space<hbm>>
      tpu.wait_dma2 semaphore(%run_scoped3A : memref<!tpu.dma_semaphore, #tpu.memory_space<semaphore_mem>>) src(%arg6 : memref<128xf32, #tpu.memory_space<vmem>>) dst(%dma_wait3A_42 : memref<128xf32, #tpu.memory_space<hbm>>)
      tpu.yield
    }) : () -> ()
    %mul3A_15 = arith.constant 4 : i32
    %mul3A_16 = arith.muli %add3A, %mul3A_15 : i32
    %add3A_17 = arith.constant 2 : i32
    %add3A_18 = arith.addi %mul3A_16, %add3A_17 : i32
    "tpu.region"() ({
      %run_scoped3A = tpu.sem_alloc : memref<!tpu.dma_semaphore, #tpu.memory_space<semaphore_mem>>
      %dma_start3A_31 = arith.constant 0 : i32
      %dma_start3A_32 = tpu.memref_slice %arg3[%add3A_18, %dma_start3A_31] : memref<128x128xi32, #tpu.memory_space<hbm>> -> memref<1x128xi32, #tpu.memory_space<hbm>>
      %dma_start3A_33 = tpu.memref_squeeze %dma_start3A_32 : memref<1x128xi32, #tpu.memory_space<hbm>> -> memref<128xi32, #tpu.memory_space<hbm>>
      %dma_start3A_34 = arith.constant 0 : i32
      %dma_start3A_35 = tpu.memref_slice %arg3[%add3A_18, %dma_start3A_34] : memref<128x128xi32, #tpu.memory_space<hbm>> -> memref<1x128xi32, #tpu.memory_space<hbm>>
      %dma_start3A_36 = tpu.memref_squeeze %dma_start3A_35 : memref<1x128xi32, #tpu.memory_space<hbm>> -> memref<128xi32, #tpu.memory_space<hbm>>
      tpu.enqueue_dma source(%dma_start3A_36 : memref<128xi32, #tpu.memory_space<hbm>>) target(%arg5 : memref<128xi32, #tpu.memory_space<vmem>>) target_semaphore(%run_scoped3A : memref<!tpu.dma_semaphore, #tpu.memory_space<semaphore_mem>>)
      %dma_wait3A_37 = arith.constant 0 : i32
      %dma_wait3A_38 = tpu.memref_slice %arg3[%add3A_18, %dma_wait3A_37] : memref<128x128xi32, #tpu.memory_space<hbm>> -> memref<1x128xi32, #tpu.memory_space<hbm>>
      %dma_wait3A_39 = tpu.memref_squeeze %dma_wait3A_38 : memref<1x128xi32, #tpu.memory_space<hbm>> -> memref<128xi32, #tpu.memory_space<hbm>>
      %dma_wait3A_40 = arith.constant 0 : i32
      %dma_wait3A_41 = tpu.memref_slice %arg3[%add3A_18, %dma_wait3A_40] : memref<128x128xi32, #tpu.memory_space<hbm>> -> memref<1x128xi32, #tpu.memory_space<hbm>>
      %dma_wait3A_42 = tpu.memref_squeeze %dma_wait3A_41 : memref<1x128xi32, #tpu.memory_space<hbm>> -> memref<128xi32, #tpu.memory_space<hbm>>
      tpu.wait_dma2 semaphore(%run_scoped3A : memref<!tpu.dma_semaphore, #tpu.memory_space<semaphore_mem>>) src(%dma_wait3A_42 : memref<128xi32, #tpu.memory_space<hbm>>) dst(%arg5 : memref<128xi32, #tpu.memory_space<vmem>>)
      tpu.yield
    }) : () -> ()
    %dma_start3A_19 = arith.constant 0 : i32
    %dma_start3A_20 = tpu.memref_slice %arg2[%dma_start3A_19] : memref<33554432xf32, #tpu.memory_space<hbm>> -> memref<33554432xf32, #tpu.memory_space<hbm>>
    tpu.enqueue_indirect_dma source(%dma_start3A_20 : memref<33554432xf32, #tpu.memory_space<hbm>>) target(%arg6 : memref<128xf32, #tpu.memory_space<vmem>>) offsets(%arg5 : memref<128xi32, #tpu.memory_space<vmem>>) semaphore(%arg7 : memref<!tpu.dma_semaphore, #tpu.memory_space<semaphore_mem>>)
    %dma_wait3A_21 = arith.constant 0 : i32
    %dma_wait3A_22 = tpu.memref_slice %arg2[%dma_wait3A_21] : memref<33554432xf32, #tpu.memory_space<hbm>> -> memref<33554432xf32, #tpu.memory_space<hbm>>
    tpu.wait_indirect_dma semaphore(%arg7 : memref<!tpu.dma_semaphore, #tpu.memory_space<semaphore_mem>>) src(%dma_wait3A_22 : memref<33554432xf32, #tpu.memory_space<hbm>>) dst(%arg6 : memref<128xf32, #tpu.memory_space<vmem>>)
    "tpu.region"() ({
      %run_scoped3A = tpu.sem_alloc : memref<!tpu.dma_semaphore, #tpu.memory_space<semaphore_mem>>
      %dma_start3A_31 = arith.constant 0 : i32
      %dma_start3A_32 = tpu.memref_slice %arg4[%add3A_18, %dma_start3A_31] : memref<128x128xf32, #tpu.memory_space<hbm>> -> memref<1x128xf32, #tpu.memory_space<hbm>>
      %dma_start3A_33 = tpu.memref_squeeze %dma_start3A_32 : memref<1x128xf32, #tpu.memory_space<hbm>> -> memref<128xf32, #tpu.memory_space<hbm>>
      %dma_start3A_34 = arith.constant 0 : i32
      %dma_start3A_35 = tpu.memref_slice %arg4[%add3A_18, %dma_start3A_34] : memref<128x128xf32, #tpu.memory_space<hbm>> -> memref<1x128xf32, #tpu.memory_space<hbm>>
      %dma_start3A_36 = tpu.memref_squeeze %dma_start3A_35 : memref<1x128xf32, #tpu.memory_space<hbm>> -> memref<128xf32, #tpu.memory_space<hbm>>
      tpu.enqueue_dma source(%arg6 : memref<128xf32, #tpu.memory_space<vmem>>) target(%dma_start3A_36 : memref<128xf32, #tpu.memory_space<hbm>>) target_semaphore(%run_scoped3A : memref<!tpu.dma_semaphore, #tpu.memory_space<semaphore_mem>>)
      %dma_wait3A_37 = arith.constant 0 : i32
      %dma_wait3A_38 = tpu.memref_slice %arg4[%add3A_18, %dma_wait3A_37] : memref<128x128xf32, #tpu.memory_space<hbm>> -> memref<1x128xf32, #tpu.memory_space<hbm>>
      %dma_wait3A_39 = tpu.memref_squeeze %dma_wait3A_38 : memref<1x128xf32, #tpu.memory_space<hbm>> -> memref<128xf32, #tpu.memory_space<hbm>>
      %dma_wait3A_40 = arith.constant 0 : i32
      %dma_wait3A_41 = tpu.memref_slice %arg4[%add3A_18, %dma_wait3A_40] : memref<128x128xf32, #tpu.memory_space<hbm>> -> memref<1x128xf32, #tpu.memory_space<hbm>>
      %dma_wait3A_42 = tpu.memref_squeeze %dma_wait3A_41 : memref<1x128xf32, #tpu.memory_space<hbm>> -> memref<128xf32, #tpu.memory_space<hbm>>
      tpu.wait_dma2 semaphore(%run_scoped3A : memref<!tpu.dma_semaphore, #tpu.memory_space<semaphore_mem>>) src(%arg6 : memref<128xf32, #tpu.memory_space<vmem>>) dst(%dma_wait3A_42 : memref<128xf32, #tpu.memory_space<hbm>>)
      tpu.yield
    }) : () -> ()
    %mul3A_23 = arith.constant 4 : i32
    %mul3A_24 = arith.muli %add3A, %mul3A_23 : i32
    %add3A_25 = arith.constant 3 : i32
    %add3A_26 = arith.addi %mul3A_24, %add3A_25 : i32
    "tpu.region"() ({
      %run_scoped3A = tpu.sem_alloc : memref<!tpu.dma_semaphore, #tpu.memory_space<semaphore_mem>>
      %dma_start3A_31 = arith.constant 0 : i32
      %dma_start3A_32 = tpu.memref_slice %arg3[%add3A_26, %dma_start3A_31] : memref<128x128xi32, #tpu.memory_space<hbm>> -> memref<1x128xi32, #tpu.memory_space<hbm>>
      %dma_start3A_33 = tpu.memref_squeeze %dma_start3A_32 : memref<1x128xi32, #tpu.memory_space<hbm>> -> memref<128xi32, #tpu.memory_space<hbm>>
      %dma_start3A_34 = arith.constant 0 : i32
      %dma_start3A_35 = tpu.memref_slice %arg3[%add3A_26, %dma_start3A_34] : memref<128x128xi32, #tpu.memory_space<hbm>> -> memref<1x128xi32, #tpu.memory_space<hbm>>
      %dma_start3A_36 = tpu.memref_squeeze %dma_start3A_35 : memref<1x128xi32, #tpu.memory_space<hbm>> -> memref<128xi32, #tpu.memory_space<hbm>>
      tpu.enqueue_dma source(%dma_start3A_36 : memref<128xi32, #tpu.memory_space<hbm>>) target(%arg5 : memref<128xi32, #tpu.memory_space<vmem>>) target_semaphore(%run_scoped3A : memref<!tpu.dma_semaphore, #tpu.memory_space<semaphore_mem>>)
      %dma_wait3A_37 = arith.constant 0 : i32
      %dma_wait3A_38 = tpu.memref_slice %arg3[%add3A_26, %dma_wait3A_37] : memref<128x128xi32, #tpu.memory_space<hbm>> -> memref<1x128xi32, #tpu.memory_space<hbm>>
      %dma_wait3A_39 = tpu.memref_squeeze %dma_wait3A_38 : memref<1x128xi32, #tpu.memory_space<hbm>> -> memref<128xi32, #tpu.memory_space<hbm>>
      %dma_wait3A_40 = arith.constant 0 : i32
      %dma_wait3A_41 = tpu.memref_slice %arg3[%add3A_26, %dma_wait3A_40] : memref<128x128xi32, #tpu.memory_space<hbm>> -> memref<1x128xi32, #tpu.memory_space<hbm>>
      %dma_wait3A_42 = tpu.memref_squeeze %dma_wait3A_41 : memref<1x128xi32, #tpu.memory_space<hbm>> -> memref<128xi32, #tpu.memory_space<hbm>>
      tpu.wait_dma2 semaphore(%run_scoped3A : memref<!tpu.dma_semaphore, #tpu.memory_space<semaphore_mem>>) src(%dma_wait3A_42 : memref<128xi32, #tpu.memory_space<hbm>>) dst(%arg5 : memref<128xi32, #tpu.memory_space<vmem>>)
      tpu.yield
    }) : () -> ()
    %dma_start3A_27 = arith.constant 0 : i32
    %dma_start3A_28 = tpu.memref_slice %arg2[%dma_start3A_27] : memref<33554432xf32, #tpu.memory_space<hbm>> -> memref<33554432xf32, #tpu.memory_space<hbm>>
    tpu.enqueue_indirect_dma source(%dma_start3A_28 : memref<33554432xf32, #tpu.memory_space<hbm>>) target(%arg6 : memref<128xf32, #tpu.memory_space<vmem>>) offsets(%arg5 : memref<128xi32, #tpu.memory_space<vmem>>) semaphore(%arg7 : memref<!tpu.dma_semaphore, #tpu.memory_space<semaphore_mem>>)
    %dma_wait3A_29 = arith.constant 0 : i32
    %dma_wait3A_30 = tpu.memref_slice %arg2[%dma_wait3A_29] : memref<33554432xf32, #tpu.memory_space<hbm>> -> memref<33554432xf32, #tpu.memory_space<hbm>>
    tpu.wait_indirect_dma semaphore(%arg7 : memref<!tpu.dma_semaphore, #tpu.memory_space<semaphore_mem>>) src(%dma_wait3A_30 : memref<33554432xf32, #tpu.memory_space<hbm>>) dst(%arg6 : memref<128xf32, #tpu.memory_space<vmem>>)
    "tpu.region"() ({
      %run_scoped3A = tpu.sem_alloc : memref<!tpu.dma_semaphore, #tpu.memory_space<semaphore_mem>>
      %dma_start3A_31 = arith.constant 0 : i32
      %dma_start3A_32 = tpu.memref_slice %arg4[%add3A_26, %dma_start3A_31] : memref<128x128xf32, #tpu.memory_space<hbm>> -> memref<1x128xf32, #tpu.memory_space<hbm>>
      %dma_start3A_33 = tpu.memref_squeeze %dma_start3A_32 : memref<1x128xf32, #tpu.memory_space<hbm>> -> memref<128xf32, #tpu.memory_space<hbm>>
      %dma_start3A_34 = arith.constant 0 : i32
      %dma_start3A_35 = tpu.memref_slice %arg4[%add3A_26, %dma_start3A_34] : memref<128x128xf32, #tpu.memory_space<hbm>> -> memref<1x128xf32, #tpu.memory_space<hbm>>
      %dma_start3A_36 = tpu.memref_squeeze %dma_start3A_35 : memref<1x128xf32, #tpu.memory_space<hbm>> -> memref<128xf32, #tpu.memory_space<hbm>>
      tpu.enqueue_dma source(%arg6 : memref<128xf32, #tpu.memory_space<vmem>>) target(%dma_start3A_36 : memref<128xf32, #tpu.memory_space<hbm>>) target_semaphore(%run_scoped3A : memref<!tpu.dma_semaphore, #tpu.memory_space<semaphore_mem>>)
      %dma_wait3A_37 = arith.constant 0 : i32
      %dma_wait3A_38 = tpu.memref_slice %arg4[%add3A_26, %dma_wait3A_37] : memref<128x128xf32, #tpu.memory_space<hbm>> -> memref<1x128xf32, #tpu.memory_space<hbm>>
      %dma_wait3A_39 = tpu.memref_squeeze %dma_wait3A_38 : memref<1x128xf32, #tpu.memory_space<hbm>> -> memref<128xf32, #tpu.memory_space<hbm>>
      %dma_wait3A_40 = arith.constant 0 : i32
      %dma_wait3A_41 = tpu.memref_slice %arg4[%add3A_26, %dma_wait3A_40] : memref<128x128xf32, #tpu.memory_space<hbm>> -> memref<1x128xf32, #tpu.memory_space<hbm>>
      %dma_wait3A_42 = tpu.memref_squeeze %dma_wait3A_41 : memref<1x128xf32, #tpu.memory_space<hbm>> -> memref<128xf32, #tpu.memory_space<hbm>>
      tpu.wait_dma2 semaphore(%run_scoped3A : memref<!tpu.dma_semaphore, #tpu.memory_space<semaphore_mem>>) src(%arg6 : memref<128xf32, #tpu.memory_space<vmem>>) dst(%dma_wait3A_42 : memref<128xf32, #tpu.memory_space<hbm>>)
      tpu.yield
    }) : () -> ()
    return
  }
}

module attributes {stable_mosaic.version = 14 : i64} {
  func.func @_scores_topk_body(%arg0: i32, %arg1: memref<1x1x512x512xf32, #tpu.memory_space<vmem>>, %arg2: memref<1x128xf32, #tpu.memory_space<vmem>>, %arg3: memref<1x128xi32, #tpu.memory_space<vmem>>, %arg4: memref<128x128xi32, #tpu.memory_space<vmem>>, %arg5: memref<9728x512xf32, #tpu.memory_space<vmem>>, %arg6: memref<19x64xf32, #tpu.memory_space<vmem>>, %arg7: memref<1x128xf32, #tpu.memory_space<vmem>>, %arg8: memref<1x128xi32, #tpu.memory_space<vmem>>) attributes {dimension_semantics = [#tpu.dimension_semantics<arbitrary>], iteration_bounds = array<i64: 19>, scalar_prefetch = 0 : i64, scratch_operands = 4 : i64, tpu.core_type = #tpu.core_type<tc>, window_params = [{transform_indices = @transform_0, window_bounds = array<i64: 1, 1, 512, 512>}, {pipeline_mode = #tpu.pipeline_mode<synchronous>, transform_indices = @transform_1, window_bounds = array<i64: 1, 128>}, {pipeline_mode = #tpu.pipeline_mode<synchronous>, transform_indices = @transform_2, window_bounds = array<i64: 1, 128>}, {pipeline_mode = #tpu.pipeline_mode<synchronous>, transform_indices = @transform_3, window_bounds = array<i64: 128, 128>}]} {
    %get3A = arith.constant 0 : index
    %get3A_0 = arith.constant 0 : index
    %get3A_1 = arith.constant 0 : index
    %get3A_2 = arith.constant 0 : index
    %get3A_3 = vector.load %arg1[%get3A, %get3A_0, %get3A_1, %get3A_2] : memref<1x1x512x512xf32, #tpu.memory_space<vmem>>, vector<1x1x512x512xf32>
    %get3A_4 = vector.shape_cast %get3A_3 : vector<1x1x512x512xf32> to vector<512x512xf32>
    %neg3A = arith.constant 0.000000e+00 : f32
    %neg3A_5 = vector.broadcast %neg3A : f32 to vector<512x512xf32>
    %neg3A_6 = arith.subf %neg3A_5, %get3A_4 : vector<512x512xf32>
    %exp3A = math.exp %neg3A_6 : vector<512x512xf32>
    %add3A = arith.constant 1.000000e+00 : f32
    %add3A_7 = vector.broadcast %add3A : f32 to vector<512x512xf32>
    %add3A_8 = arith.addf %add3A_7, %exp3A : vector<512x512xf32>
    %div3A = arith.constant 1.000000e+00 : f32
    %div3A_9 = vector.broadcast %div3A : f32 to vector<512x512xf32>
    %div3A_10 = arith.divf %div3A_9, %add3A_8 : vector<512x512xf32>
    %broadcast_in_dim3A = arith.constant 0.000000e+00 : f32
    %broadcast_in_dim3A_11 = vector.broadcast %broadcast_in_dim3A : f32 to vector<512x1xf32>
    %broadcast_in_dim3A_12 = arith.constant 0.000000e+00 : f32
    %broadcast_in_dim3A_13 = vector.broadcast %broadcast_in_dim3A_12 : f32 to vector<1x512xf32>
    %slice3A = vector.extract_strided_slice %div3A_10 {offsets = [0, 1], sizes = [512, 511], strides = [1, 1]} : vector<512x512xf32> to vector<512x511xf32>
    %concatenate3A = tpu.concatenate %slice3A, %broadcast_in_dim3A_11 in 1 : vector<512x511xf32>, vector<512x1xf32> -> vector<512x512xf32>
    %add3A_14 = arith.addf %div3A_10, %concatenate3A : vector<512x512xf32>
    %slice3A_15 = vector.extract_strided_slice %div3A_10 {offsets = [0, 0], sizes = [512, 511], strides = [1, 1]} : vector<512x512xf32> to vector<512x511xf32>
    %concatenate3A_16 = tpu.concatenate %broadcast_in_dim3A_11, %slice3A_15 in 1 : vector<512x1xf32>, vector<512x511xf32> -> vector<512x512xf32>
    %add3A_17 = arith.addf %add3A_14, %concatenate3A_16 : vector<512x512xf32>
    %slice3A_18 = vector.extract_strided_slice %add3A_17 {offsets = [1, 0], sizes = [511, 512], strides = [1, 1]} : vector<512x512xf32> to vector<511x512xf32>
    %concatenate3A_19 = tpu.concatenate %slice3A_18, %broadcast_in_dim3A_13 in 0 : vector<511x512xf32>, vector<1x512xf32> -> vector<512x512xf32>
    %add3A_20 = arith.addf %add3A_17, %concatenate3A_19 : vector<512x512xf32>
    %slice3A_21 = vector.extract_strided_slice %add3A_17 {offsets = [0, 0], sizes = [511, 512], strides = [1, 1]} : vector<512x512xf32> to vector<511x512xf32>
    %concatenate3A_22 = tpu.concatenate %broadcast_in_dim3A_13, %slice3A_21 in 0 : vector<1x512xf32>, vector<511x512xf32> -> vector<512x512xf32>
    %add3A_23 = arith.addf %add3A_20, %concatenate3A_22 : vector<512x512xf32>
    %mul3A = arith.constant 0.111111112 : f32
    %mul3A_24 = vector.broadcast %mul3A : f32 to vector<512x512xf32>
    %mul3A_25 = arith.mulf %add3A_23, %mul3A_24 : vector<512x512xf32>
    %add3A_26 = arith.addf %div3A_10, %mul3A_25 : vector<512x512xf32>
    %mul3A_27 = arith.constant 5.000000e-01 : f32
    %mul3A_28 = vector.broadcast %mul3A_27 : f32 to vector<512x512xf32>
    %mul3A_29 = arith.mulf %add3A_26, %mul3A_28 : vector<512x512xf32>
    %broadcast_in_dim3A_30 = arith.constant 0xFF800000 : f32
    %broadcast_in_dim3A_31 = vector.broadcast %broadcast_in_dim3A_30 : f32 to vector<512x1xf32>
    %broadcast_in_dim3A_32 = arith.constant 0xFF800000 : f32
    %broadcast_in_dim3A_33 = vector.broadcast %broadcast_in_dim3A_32 : f32 to vector<1x512xf32>
    %slice3A_34 = vector.extract_strided_slice %mul3A_29 {offsets = [0, 1], sizes = [512, 511], strides = [1, 1]} : vector<512x512xf32> to vector<512x511xf32>
    %concatenate3A_35 = tpu.concatenate %slice3A_34, %broadcast_in_dim3A_31 in 1 : vector<512x511xf32>, vector<512x1xf32> -> vector<512x512xf32>
    %slice3A_36 = vector.extract_strided_slice %mul3A_29 {offsets = [0, 0], sizes = [512, 511], strides = [1, 1]} : vector<512x512xf32> to vector<512x511xf32>
    %concatenate3A_37 = tpu.concatenate %broadcast_in_dim3A_31, %slice3A_36 in 1 : vector<512x1xf32>, vector<512x511xf32> -> vector<512x512xf32>
    %max3A = arith.maximumf %concatenate3A_35, %concatenate3A_37 : vector<512x512xf32>
    %max3A_38 = arith.maximumf %mul3A_29, %max3A : vector<512x512xf32>
    %slice3A_39 = vector.extract_strided_slice %max3A_38 {offsets = [1, 0], sizes = [511, 512], strides = [1, 1]} : vector<512x512xf32> to vector<511x512xf32>
    %concatenate3A_40 = tpu.concatenate %slice3A_39, %broadcast_in_dim3A_33 in 0 : vector<511x512xf32>, vector<1x512xf32> -> vector<512x512xf32>
    %slice3A_41 = vector.extract_strided_slice %max3A_38 {offsets = [0, 0], sizes = [511, 512], strides = [1, 1]} : vector<512x512xf32> to vector<511x512xf32>
    %concatenate3A_42 = tpu.concatenate %broadcast_in_dim3A_33, %slice3A_41 in 0 : vector<1x512xf32>, vector<511x512xf32> -> vector<512x512xf32>
    %max3A_43 = arith.maximumf %concatenate3A_40, %concatenate3A_42 : vector<512x512xf32>
    %max3A_44 = arith.maximumf %max3A_38, %max3A_43 : vector<512x512xf32>
    %eq3A = arith.cmpf oeq, %max3A_44, %mul3A_29 : vector<512x512xf32>
    %jit3A = arith.constant 0.000000e+00 : f32
    %broadcast_in_dim3A_45 = vector.broadcast %jit3A : f32 to vector<512x512xf32>
    %select_n3A = arith.select %eq3A, %mul3A_29, %broadcast_in_dim3A_45 : vector<512x512xi1>, vector<512x512xf32>
    %mul3A_46 = arith.constant 512 : i32
    %mul3A_47 = arith.muli %arg0, %mul3A_46 : i32
    %multiple_of3A = tpu.assume_multiple %mul3A_47, 512 : i32
    %swap3A = arith.index_cast %multiple_of3A : i32 to index
    %swap3A_48 = arith.constant 0 : index
    %swap3A_49 = vector.load %arg5[%swap3A, %swap3A_48] : memref<9728x512xf32, #tpu.memory_space<vmem>>, vector<512x512xf32>
    tpu.vector_store %arg5[%swap3A, %swap3A_48], %select_n3A {strides = array<i32>} : memref<9728x512xf32, #tpu.memory_space<vmem>>, vector<512x512xf32>,
    %reshape3A = vector.shape_cast %select_n3A : vector<512x512xf32> to vector<64x8x512xf32>
    %reduce_max3A = arith.constant dense<0xFF800000> : vector<64x512xf32>
    %reduce_max3A_50 = vector.multi_reduction <maximumf>, %reshape3A, %reduce_max3A [1] : vector<64x8x512xf32> to vector<64x512xf32>
    %reduce_max3A_51 = arith.constant dense<0xFF800000> : vector<64xf32>
    %reduce_max3A_52 = vector.multi_reduction <maximumf>, %reduce_max3A_50, %reduce_max3A_51 [1] : vector<64x512xf32> to vector<64xf32>
    %reshape3A_53 = vector.shape_cast %reduce_max3A_52 : vector<64xf32> to vector<1x64xf32>
    %swap3A_54 = arith.index_cast %arg0 : i32 to index
    %swap3A_55 = arith.constant 0 : index
    %swap3A_56 = vector.load %arg6[%swap3A_54, %swap3A_55] : memref<19x64xf32, #tpu.memory_space<vmem>>, vector<1x64xf32>
    tpu.vector_store %arg6[%swap3A_54, %swap3A_55], %reshape3A_53 {strides = array<i32>} : memref<19x64xf32, #tpu.memory_space<vmem>>, vector<1x64xf32>,
    %eq3A_57 = arith.constant 18 : i32
    %eq3A_58 = arith.cmpi eq, %arg0, %eq3A_57 : i32
    %convert_element_type3A = arith.extui %eq3A_58 : i1 to i32
    %cond3A = arith.constant 0 : i32
    %cond3A_59 = arith.cmpi ne, %convert_element_type3A, %cond3A : i32
    scf.if %cond3A_59 {
      %iota3A = tpu.iota {dimensions = array<i32: 1>} : vector<1x128xi32>
      %broadcast_in_dim3A_60 = arith.constant 0.000000e+00 : f32
      %broadcast_in_dim3A_61 = vector.broadcast %broadcast_in_dim3A_60 : f32 to vector<1x128xf32>
      %swap3A_62 = arith.constant 0 : index
      %swap3A_63 = arith.constant 0 : index
      %swap3A_64 = vector.load %arg7[%swap3A_62, %swap3A_63] : memref<1x128xf32, #tpu.memory_space<vmem>>, vector<1x128xf32>
      tpu.vector_store %arg7[%swap3A_62, %swap3A_63], %broadcast_in_dim3A_61 {strides = array<i32>} : memref<1x128xf32, #tpu.memory_space<vmem>>, vector<1x128xf32>,
      %broadcast_in_dim3A_65 = arith.constant 0 : i32
      %broadcast_in_dim3A_66 = vector.broadcast %broadcast_in_dim3A_65 : i32 to vector<1x128xi32>
      %swap3A_67 = arith.constant 0 : index
      %swap3A_68 = arith.constant 0 : index
      %swap3A_69 = vector.load %arg8[%swap3A_67, %swap3A_68] : memref<1x128xi32, #tpu.memory_space<vmem>>, vector<1x128xi32>
      tpu.vector_store %arg8[%swap3A_67, %swap3A_68], %broadcast_in_dim3A_66 {strides = array<i32>} : memref<1x128xi32, #tpu.memory_space<vmem>>, vector<1x128xi32>,
      %iota3A_70 = tpu.iota {dimensions = array<i32: 0>} : vector<19x64xi32>
      %mul3A_71 = arith.constant 64 : i32
      %mul3A_72 = vector.broadcast %mul3A_71 : i32 to vector<19x64xi32>
      %mul3A_73 = arith.muli %iota3A_70, %mul3A_72 : vector<19x64xi32>
      %iota3A_74 = tpu.iota {dimensions = array<i32: 1>} : vector<19x64xi32>
      %add3A_75 = arith.addi %mul3A_73, %iota3A_74 : vector<19x64xi32>
      %iota3A_76 = tpu.iota {dimensions = array<i32: 0>} : vector<8x512xi32>
      %mul3A_77 = arith.constant 512 : i32
      %mul3A_78 = vector.broadcast %mul3A_77 : i32 to vector<8x512xi32>
      %mul3A_79 = arith.muli %iota3A_76, %mul3A_78 : vector<8x512xi32>
      %iota3A_80 = tpu.iota {dimensions = array<i32: 1>} : vector<8x512xi32>
      %add3A_81 = arith.addi %mul3A_79, %iota3A_80 : vector<8x512xi32>
      %scan3A = arith.constant 0 : i32
      %scan3A_82 = arith.constant 100 : i32
      %scan3A_83 = arith.addi %scan3A, %scan3A_82 : i32
      %scan3A_84 = arith.constant 1 : i32
      scf.for %scan3A_170 = %scan3A to %scan3A_83 step %scan3A_84  : i32 {
        %get3A_171 = arith.constant 0 : index
        %get3A_172 = arith.constant 0 : index
        %get3A_173 = vector.load %arg6[%get3A_171, %get3A_172] : memref<19x64xf32, #tpu.memory_space<vmem>>, vector<19x64xf32>
        %reduce_max3A_174 = vector.shape_cast %get3A_173 : vector<19x64xf32> to vector<1x19x64xf32>
        %reduce_max3A_175 = arith.constant dense<0xFF800000> : vector<1xf32>
        %reduce_max3A_176 = vector.multi_reduction <maximumf>, %reduce_max3A_174, %reduce_max3A_175 [1, 2] : vector<1x19x64xf32> to vector<1xf32>
        %reduce_max3A_177 = vector.shape_cast %reduce_max3A_176 : vector<1xf32> to vector<1x1x1xf32>
        %reduce_max3A_178 = vector.extract %reduce_max3A_177[0, 0, 0] : f32 from vector<1x1x1xf32>
        %eq3A_179 = vector.broadcast %reduce_max3A_178 : f32 to vector<19x64xf32>
        %eq3A_180 = arith.cmpf oeq, %get3A_173, %eq3A_179 : vector<19x64xf32>
        %jit3A_181 = arith.constant 1073741824 : i32
        %broadcast_in_dim3A_182 = vector.broadcast %jit3A_181 : i32 to vector<19x64xi32>
        %select_n3A_183 = arith.select %eq3A_180, %add3A_75, %broadcast_in_dim3A_182 : vector<19x64xi1>, vector<19x64xi32>
        %reduce_min3A = vector.shape_cast %select_n3A_183 : vector<19x64xi32> to vector<1x19x64xi32>
        %reduce_min3A_184 = arith.constant dense<2147483647> : vector<1xi32>
        %reduce_min3A_185 = vector.multi_reduction <minsi>, %reduce_min3A, %reduce_min3A_184 [1, 2] : vector<1x19x64xi32> to vector<1xi32>
        %reduce_min3A_186 = vector.shape_cast %reduce_min3A_185 : vector<1xi32> to vector<1x1x1xi32>
        %reduce_min3A_187 = vector.extract %reduce_min3A_186[0, 0, 0] : i32 from vector<1x1x1xi32>
        %mul3A_188 = arith.constant 8 : i32
        %mul3A_189 = arith.muli %reduce_min3A_187, %mul3A_188 : i32
        %multiple_of3A_190 = tpu.assume_multiple %mul3A_189, 8 : i32
        %get3A_191 = arith.index_cast %multiple_of3A_190 : i32 to index
        %get3A_192 = arith.constant 0 : index
        %get3A_193 = vector.load %arg5[%get3A_191, %get3A_192] : memref<9728x512xf32, #tpu.memory_space<vmem>>, vector<8x512xf32>
        %reduce_max3A_194 = vector.shape_cast %get3A_193 : vector<8x512xf32> to vector<1x8x512xf32>
        %reduce_max3A_195 = arith.constant dense<0xFF800000> : vector<1xf32>
        %reduce_max3A_196 = vector.multi_reduction <maximumf>, %reduce_max3A_194, %reduce_max3A_195 [1, 2] : vector<1x8x512xf32> to vector<1xf32>
        %reduce_max3A_197 = vector.shape_cast %reduce_max3A_196 : vector<1xf32> to vector<1x1x1xf32>
        %reduce_max3A_198 = vector.extract %reduce_max3A_197[0, 0, 0] : f32 from vector<1x1x1xf32>
        %eq3A_199 = vector.broadcast %reduce_max3A_198 : f32 to vector<8x512xf32>
        %eq3A_200 = arith.cmpf oeq, %get3A_193, %eq3A_199 : vector<8x512xf32>
        %jit3A_201 = arith.constant 1073741824 : i32
        %broadcast_in_dim3A_202 = vector.broadcast %jit3A_201 : i32 to vector<8x512xi32>
        %select_n3A_203 = arith.select %eq3A_200, %add3A_81, %broadcast_in_dim3A_202 : vector<8x512xi1>, vector<8x512xi32>
        %reduce_min3A_204 = vector.shape_cast %select_n3A_203 : vector<8x512xi32> to vector<1x8x512xi32>
        %reduce_min3A_205 = arith.constant dense<2147483647> : vector<1xi32>
        %reduce_min3A_206 = vector.multi_reduction <minsi>, %reduce_min3A_204, %reduce_min3A_205 [1, 2] : vector<1x8x512xi32> to vector<1xi32>
        %reduce_min3A_207 = vector.shape_cast %reduce_min3A_206 : vector<1xi32> to vector<1x1x1xi32>
        %reduce_min3A_208 = vector.extract %reduce_min3A_207[0, 0, 0] : i32 from vector<1x1x1xi32>
        %mul3A_209 = arith.constant 512 : i32
        %mul3A_210 = arith.muli %multiple_of3A_190, %mul3A_209 : i32
        %add3A_211 = arith.addi %mul3A_210, %reduce_min3A_208 : i32
        %eq3A_212 = vector.broadcast %reduce_min3A_208 : i32 to vector<8x512xi32>
        %eq3A_213 = arith.cmpi eq, %add3A_81, %eq3A_212 : vector<8x512xi32>
        %jit3A_214 = arith.constant -1.000000e+00 : f32
        %broadcast_in_dim3A_215 = vector.broadcast %jit3A_214 : f32 to vector<8x512xf32>
        %select_n3A_216 = arith.select %eq3A_213, %broadcast_in_dim3A_215, %get3A_193 : vector<8x512xi1>, vector<8x512xf32>
        %swap3A_217 = arith.index_cast %multiple_of3A_190 : i32 to index
        %swap3A_218 = arith.constant 0 : index
        %swap3A_219 = vector.load %arg5[%swap3A_217, %swap3A_218] : memref<9728x512xf32, #tpu.memory_space<vmem>>, vector<8x512xf32>
        tpu.vector_store %arg5[%swap3A_217, %swap3A_218], %select_n3A_216 {strides = array<i32>} : memref<9728x512xf32, #tpu.memory_space<vmem>>, vector<8x512xf32>,
        %eq3A_220 = vector.broadcast %reduce_min3A_187 : i32 to vector<19x64xi32>
        %eq3A_221 = arith.cmpi eq, %add3A_75, %eq3A_220 : vector<19x64xi32>
        %reduce_max3A_222 = vector.shape_cast %select_n3A_216 : vector<8x512xf32> to vector<1x8x512xf32>
        %reduce_max3A_223 = arith.constant dense<0xFF800000> : vector<1xf32>
        %reduce_max3A_224 = vector.multi_reduction <maximumf>, %reduce_max3A_222, %reduce_max3A_223 [1, 2] : vector<1x8x512xf32> to vector<1xf32>
        %reduce_max3A_225 = vector.shape_cast %reduce_max3A_224 : vector<1xf32> to vector<1x1x1xf32>
        %reduce_max3A_226 = vector.extract %reduce_max3A_225[0, 0, 0] : f32 from vector<1x1x1xf32>
        %broadcast_in_dim3A_227 = vector.broadcast %reduce_max3A_226 : f32 to vector<19x64xf32>
        %select_n3A_228 = arith.select %eq3A_221, %broadcast_in_dim3A_227, %get3A_173 : vector<19x64xi1>, vector<19x64xf32>
        %swap3A_229 = arith.constant 0 : index
        %swap3A_230 = arith.constant 0 : index
        %swap3A_231 = vector.load %arg6[%swap3A_229, %swap3A_230] : memref<19x64xf32, #tpu.memory_space<vmem>>, vector<19x64xf32>
        tpu.vector_store %arg6[%swap3A_229, %swap3A_230], %select_n3A_228 {strides = array<i32>} : memref<19x64xf32, #tpu.memory_space<vmem>>, vector<19x64xf32>,
        %eq3A_232 = vector.broadcast %scan3A_170 : i32 to vector<1x128xi32>
        %eq3A_233 = arith.cmpi eq, %iota3A, %eq3A_232 : vector<1x128xi32>
        %get3A_234 = arith.constant 0 : index
        %get3A_235 = arith.constant 0 : index
        %get3A_236 = vector.load %arg7[%get3A_234, %get3A_235] : memref<1x128xf32, #tpu.memory_space<vmem>>, vector<1x128xf32>
        %broadcast_in_dim3A_237 = vector.broadcast %reduce_max3A_198 : f32 to vector<1x128xf32>
        %select_n3A_238 = arith.select %eq3A_233, %broadcast_in_dim3A_237, %get3A_236 : vector<1x128xi1>, vector<1x128xf32>
        %swap3A_239 = arith.constant 0 : index
        %swap3A_240 = arith.constant 0 : index
        %swap3A_241 = vector.load %arg7[%swap3A_239, %swap3A_240] : memref<1x128xf32, #tpu.memory_space<vmem>>, vector<1x128xf32>
        tpu.vector_store %arg7[%swap3A_239, %swap3A_240], %select_n3A_238 {strides = array<i32>} : memref<1x128xf32, #tpu.memory_space<vmem>>, vector<1x128xf32>,
        %eq3A_242 = vector.broadcast %scan3A_170 : i32 to vector<1x128xi32>
        %eq3A_243 = arith.cmpi eq, %iota3A, %eq3A_242 : vector<1x128xi32>
        %get3A_244 = arith.constant 0 : index
        %get3A_245 = arith.constant 0 : index
        %get3A_246 = vector.load %arg8[%get3A_244, %get3A_245] : memref<1x128xi32, #tpu.memory_space<vmem>>, vector<1x128xi32>
        %broadcast_in_dim3A_247 = vector.broadcast %add3A_211 : i32 to vector<1x128xi32>
        %select_n3A_248 = arith.select %eq3A_243, %broadcast_in_dim3A_247, %get3A_246 : vector<1x128xi1>, vector<1x128xi32>
        %swap3A_249 = arith.constant 0 : index
        %swap3A_250 = arith.constant 0 : index
        %swap3A_251 = vector.load %arg8[%swap3A_249, %swap3A_250] : memref<1x128xi32, #tpu.memory_space<vmem>>, vector<1x128xi32>
        tpu.vector_store %arg8[%swap3A_249, %swap3A_250], %select_n3A_248 {strides = array<i32>} : memref<1x128xi32, #tpu.memory_space<vmem>>, vector<1x128xi32>,
      }
      %scan3A_85 = arith.constant 100 : i32
      %get3A_86 = arith.constant 0 : index
      %get3A_87 = arith.constant 0 : index
      %get3A_88 = vector.load %arg7[%get3A_86, %get3A_87] : memref<1x128xf32, #tpu.memory_space<vmem>>, vector<1x128xf32>
      %get3A_89 = arith.constant 0 : index
      %get3A_90 = arith.constant 0 : index
      %get3A_91 = vector.load %arg8[%get3A_89, %get3A_90] : memref<1x128xi32, #tpu.memory_space<vmem>>, vector<1x128xi32>
      %lt3A = arith.constant 100 : i32
      %lt3A_92 = vector.broadcast %lt3A : i32 to vector<1x128xi32>
      %lt3A_93 = arith.cmpi slt, %iota3A, %lt3A_92 : vector<1x128xi32>
      %gt3A = arith.constant 1.000000e-01 : f32
      %gt3A_94 = vector.broadcast %gt3A : f32 to vector<1x128xf32>
      %gt3A_95 = arith.cmpf ogt, %get3A_88, %gt3A_94 : vector<1x128xf32>
      %and3A = arith.andi %gt3A_95, %lt3A_93 : vector<1x128xi1>
      %jit3A_96 = arith.constant 0.000000e+00 : f32
      %broadcast_in_dim3A_97 = vector.broadcast %jit3A_96 : f32 to vector<1x128xf32>
      %select_n3A_98 = arith.select %and3A, %get3A_88, %broadcast_in_dim3A_97 : vector<1x128xi1>, vector<1x128xf32>
      %swap3A_99 = arith.constant 0 : index
      %swap3A_100 = arith.constant 0 : index
      %swap3A_101 = vector.load %arg2[%swap3A_99, %swap3A_100] : memref<1x128xf32, #tpu.memory_space<vmem>>, vector<1x128xf32>
      tpu.vector_store %arg2[%swap3A_99, %swap3A_100], %select_n3A_98 {strides = array<i32>} : memref<1x128xf32, #tpu.memory_space<vmem>>, vector<1x128xf32>,
      %jit3A_102 = arith.constant 262144 : i32
      %div3A_103 = vector.broadcast %jit3A_102 : i32 to vector<1x128xi32>
      %div3A_104 = arith.divsi %get3A_91, %div3A_103 : vector<1x128xi32>
      %sign3A = arith.constant 0 : i32
      %sign3A_105 = vector.broadcast %sign3A : i32 to vector<1x128xi32>
      %sign3A_106 = arith.cmpi sgt, %get3A_91, %sign3A_105 : vector<1x128xi32>
      %sign3A_107 = arith.extui %sign3A_106 : vector<1x128xi1> to vector<1x128xi32>
      %sign3A_108 = arith.constant 0 : i32
      %sign3A_109 = vector.broadcast %sign3A_108 : i32 to vector<1x128xi32>
      %sign3A_110 = arith.cmpi slt, %get3A_91, %sign3A_109 : vector<1x128xi32>
      %sign3A_111 = arith.extui %sign3A_110 : vector<1x128xi1> to vector<1x128xi32>
      %sign3A_112 = arith.subi %sign3A_107, %sign3A_111 : vector<1x128xi32>
      %sign3A_113 = arith.constant 0 : i32
      %sign3A_114 = arith.cmpi sgt, %jit3A_102, %sign3A_113 : i32
      %sign3A_115 = arith.extui %sign3A_114 : i1 to i32
      %sign3A_116 = arith.constant 0 : i32
      %sign3A_117 = arith.cmpi slt, %jit3A_102, %sign3A_116 : i32
      %sign3A_118 = arith.extui %sign3A_117 : i1 to i32
      %sign3A_119 = arith.subi %sign3A_115, %sign3A_118 : i32
      %ne3A = vector.broadcast %sign3A_119 : i32 to vector<1x128xi32>
      %ne3A_120 = arith.cmpi ne, %sign3A_112, %ne3A : vector<1x128xi32>
      %rem3A = vector.broadcast %jit3A_102 : i32 to vector<1x128xi32>
      %rem3A_121 = arith.remsi %get3A_91, %rem3A : vector<1x128xi32>
      %ne3A_122 = arith.constant 0 : i32
      %ne3A_123 = vector.broadcast %ne3A_122 : i32 to vector<1x128xi32>
      %ne3A_124 = arith.cmpi ne, %rem3A_121, %ne3A_123 : vector<1x128xi32>
      %and3A_125 = arith.andi %ne3A_120, %ne3A_124 : vector<1x128xi1>
      %sub3A = arith.constant 1 : i32
      %sub3A_126 = vector.broadcast %sub3A : i32 to vector<1x128xi32>
      %sub3A_127 = arith.subi %div3A_104, %sub3A_126 : vector<1x128xi32>
      %select_n3A_128 = arith.select %and3A_125, %sub3A_127, %div3A_104 : vector<1x128xi1>, vector<1x128xi32>
      %jit3A_129 = arith.constant 0 : i32
      %broadcast_in_dim3A_130 = vector.broadcast %jit3A_129 : i32 to vector<1x128xi32>
      %select_n3A_131 = arith.select %and3A, %select_n3A_128, %broadcast_in_dim3A_130 : vector<1x128xi1>, vector<1x128xi32>
      %swap3A_132 = arith.constant 0 : index
      %swap3A_133 = arith.constant 0 : index
      %swap3A_134 = vector.load %arg3[%swap3A_132, %swap3A_133] : memref<1x128xi32, #tpu.memory_space<vmem>>, vector<1x128xi32>
      tpu.vector_store %arg3[%swap3A_132, %swap3A_133], %select_n3A_131 {strides = array<i32>} : memref<1x128xi32, #tpu.memory_space<vmem>>, vector<1x128xi32>,
      %jit3A_135 = arith.constant 262144 : i32
      %eq3A_136 = arith.constant 0 : i32
      %eq3A_137 = arith.cmpi eq, %jit3A_135, %eq3A_136 : i32
      %jit3A_138 = arith.constant 1 : i32
      %select_n3A_139 = arith.select %eq3A_137, %jit3A_138, %jit3A_135 : i32
      %rem3A_140 = vector.broadcast %select_n3A_139 : i32 to vector<1x128xi32>
      %rem3A_141 = arith.remsi %get3A_91, %rem3A_140 : vector<1x128xi32>
      %ne3A_142 = arith.constant 0 : i32
      %ne3A_143 = vector.broadcast %ne3A_142 : i32 to vector<1x128xi32>
      %ne3A_144 = arith.cmpi ne, %rem3A_141, %ne3A_143 : vector<1x128xi32>
      %lt3A_145 = arith.constant 0 : i32
      %lt3A_146 = vector.broadcast %lt3A_145 : i32 to vector<1x128xi32>
      %lt3A_147 = arith.cmpi slt, %rem3A_141, %lt3A_146 : vector<1x128xi32>
      %lt3A_148 = arith.constant 0 : i32
      %lt3A_149 = arith.cmpi slt, %select_n3A_139, %lt3A_148 : i32
      %ne3A_150 = vector.broadcast %lt3A_149 : i1 to vector<1x128xi1>
      %ne3A_151 = vector.broadcast %ne3A_150 : vector<1x128xi1> to vector<1x128xi1>
      %ne3A_152 = arith.xori %lt3A_147, %ne3A_151 : vector<1x128xi1>
      %and3A_153 = arith.andi %ne3A_152, %ne3A_144 : vector<1x128xi1>
      %add3A_154 = vector.broadcast %select_n3A_139 : i32 to vector<1x128xi32>
      %add3A_155 = arith.addi %rem3A_141, %add3A_154 : vector<1x128xi32>
      %select_n3A_156 = arith.select %and3A_153, %add3A_155, %rem3A_141 : vector<1x128xi1>, vector<1x128xi32>
      %jit3A_157 = arith.constant 0 : i32
      %broadcast_in_dim3A_158 = vector.broadcast %jit3A_157 : i32 to vector<1x128xi32>
      %select_n3A_159 = arith.select %lt3A_93, %select_n3A_156, %broadcast_in_dim3A_158 : vector<1x128xi1>, vector<1x128xi32>
      %broadcast_in_dim3A_160 = vector.shape_cast %select_n3A_159 : vector<1x128xi32> to vector<1x128xi32>
      %broadcast_in_dim3A_161 = vector.broadcast %broadcast_in_dim3A_160 : vector<1x128xi32> to vector<128x128xi32>
      %transpose3A = tpu.transpose %broadcast_in_dim3A_161, [1, 0] : vector<128x128xi32> -> vector<128x128xi32>
      %iota3A_162 = tpu.iota {dimensions = array<i32: 1>} : vector<128x128xi32>
      %mul3A_163 = arith.constant 262144 : i32
      %mul3A_164 = vector.broadcast %mul3A_163 : i32 to vector<128x128xi32>
      %mul3A_165 = arith.muli %iota3A_162, %mul3A_164 : vector<128x128xi32>
      %add3A_166 = arith.addi %transpose3A, %mul3A_165 : vector<128x128xi32>
      %swap3A_167 = arith.constant 0 : index
      %swap3A_168 = arith.constant 0 : index
      %swap3A_169 = vector.load %arg4[%swap3A_167, %swap3A_168] : memref<128x128xi32, #tpu.memory_space<vmem>>, vector<128x128xi32>
      tpu.vector_store %arg4[%swap3A_167, %swap3A_168], %add3A_166 {strides = array<i32>} : memref<128x128xi32, #tpu.memory_space<vmem>>, vector<128x128xi32>,
    } else {
    }
    return
  }
  func.func @transform_0(%arg0: i32) -> (i32, i32, i32, i32) {
    %c0_i32 = arith.constant 0 : i32
    %c0_i32_0 = arith.constant 0 : i32
    %c0_i32_1 = arith.constant 0 : i32
    %c0_i32_2 = arith.constant 0 : i32
    return %c0_i32, %arg0, %c0_i32_0, %c0_i32_1 : i32, i32, i32, i32
  }
  func.func @transform_1(%arg0: i32) -> (i32, i32) {
    %c0_i32 = arith.constant 0 : i32
    %c0_i32_0 = arith.constant 0 : i32
    %c0_i32_1 = arith.constant 0 : i32
    return %c0_i32, %c0_i32_0 : i32, i32
  }
  func.func @transform_2(%arg0: i32) -> (i32, i32) {
    %c0_i32 = arith.constant 0 : i32
    %c0_i32_0 = arith.constant 0 : i32
    %c0_i32_1 = arith.constant 0 : i32
    return %c0_i32, %c0_i32_0 : i32, i32
  }
  func.func @transform_3(%arg0: i32) -> (i32, i32) {
    %c0_i32 = arith.constant 0 : i32
    %c0_i32_0 = arith.constant 0 : i32
    %c0_i32_1 = arith.constant 0 : i32
    return %c0_i32, %c0_i32_0 : i32, i32
  }
}

</mosaic_0001>

<sc_bundles>
// kernel: kernel.4.cloned.1.call-start
scs
__scs_entry_jumppad:
0x0: {  	(pc) =	sbr.rel $0x88, $3  }
0x1: {  	(tag) =	ssettag $0x0;
	lr =	simm.s32 $0x1  }
0x2: {  	[smem:$0x3F9F] =	sst lr;
	_ =	strace $0xD0000000  }
0x3: {  	_ = 	snop  }
0x4: {  	_ = 	snop  }
0x5: {  	_ = 	snop  }
0x6: {  	_ = 	snop  }
0x7: {  	_ = 	snop  }
__scs_overlays_trampoline_lowered:
0x8: {  	[smem:$0x3FAE] =	sst s0  }
0x9: {  	[smem:$0x3FAF] =	sst s1  }
0xa: {  	[smem:$0x3FB0] =	sst s2  }
0xb: {  	[smem:$0x3FB1] =	sst s3  }
0xc: {  	[smem:$0x3FB2] =	sst s4  }
0xd: {  	[smem:$0x3FB3] =	sst s5  }
0xe: {  	[smem:$0x3FB4] =	sst s6  }
0xf: {  	[smem:$0x3FB5] =	sst s7  }
0x10: {  	[smem:$0x3FB6] =	sst s8  }
0x11: {  	[smem:$0x3FB7] =	sst s9;
	s0 =	simm.s32 @!p0 $0x0  }
0x12: {  	s1 =	sld [smem:$0x3F9D];
	s0 =	simm.s32 @p0 $0x1  }
0x13: {  	[smem:$0x3FB8] =	sst s0;
	s0 =	simm.s32 @!p1 $0x0  }
0x14: {  	s2 =	sld [smem:$0x3F9C];
	s0 =	simm.s32 @p1 $0x1  }
0x15: {  	[smem:$0x3FB9] =	sst s0;
	s0 =	simm.s32 @!p2 $0x0  }
0x16: {  	s3 =	sld [smem:$0x3FDB];
	s0 =	simm.s32 @p2 $0x1  }
0x17: {  	s4 =	simm.s32 $0x1BF5;
	[smem:$0x3FBB] =	sst s0  }
0x18: {  	s0 =	sld [smem:$0x3F9E];
	_ =	swait.ge [sflag:s4], $0x0  }
0x19: {  	s7 =	sld [smem:$0x3F9F]  }
0x1a: {  	s8 =	sadd.s32 $0xFFFFE003, lr  }
0x1b: {  	s9 =	sadd.s32 $0xFFFFFEF7, lr;
	s5 =	simm.s32 $0xFFFFFFFF;
	p2 =	slt.u32 s8, $0xFFFFF086  }
0x1c: {  	p1 =	slt.u32 s9, $0xF7A;
	s5 =	simm.s32 @!p2 $0x0  }
0x1d: {  	s5 =	simm.s32 @p1 $0x1;
	p0 =	seq.s32 s7, s2  }
0x1e: {  	s7 =	smul.u32 @!p0 $0xF7A, s2;
	p2 =	seq.s32 @!p0 s5, $0x0  }
0x1f: {  	s9 =	smul.u32 $0xF7A, s1;
	s8 =	simm.s32 @!p0 $0x1BF5;
	p2 =	por !p2, p0  }
0x20: {  	[sflag:s8] =	ssyncset.s32 @!p0 $0xFFFFF086;
	s6 =	sadd.s32 @!p0 s3, s7;
	s7 =	simm.s32 @!p0 $0x108  }
0x21: {  	s3 =	sadd.s32 s3, s9;
	s6 =	sadd.s32 @!p0 $0x88, s6;
	s7 =	simm.s32 @p2 $0x1082  }
0x22: {  	[simem:s7], [sflag:s8] =	dma.local @!p0 [hbm:s6], $0xF7A  }
0x23: {  	s9 =	sor.u32 $0xD0000000, s2;
	s6 =	simm.s32 $0x108;
	_ =	swait.ge @!p0 [sflag:s8], $0x0  }
0x24: {  	s3 =	sadd.s32 $0x88, s3;
	s6 =	simm.s32 @!p1 $0x1082;
	[sflag:s4] =	ssyncset.s32 $0xFFFFF086  }
0x25: {  	[simem:s6], [sflag:s4] =	dma.local [hbm:s3], $0xF7A  }
0x26: {  	[smem:$0x3F9F] =	sst s1;
	(tag) =	ssettag s2;
	_ =	strace s9  }
0x27: {  	s1 =	sld [smem:$0x3FAF]  }
0x28: {  	s2 =	sld [smem:$0x3FB0]  }
0x29: {  	s4 =	sld [smem:$0x3FB2]  }
0x2a: {  	p0 =	seq.s32 s5, $0x0;
	s5 =	sld [smem:$0x3FB3]  }
0x2b: {  	s6 =	sld [smem:$0x3FB4]  }
0x2c: {  	s7 =	sld [smem:$0x3FB5]  }
0x2d: {  	s3 =	simm.s32 $0x108;
	s8 =	sld [smem:$0x3FB6]  }
0x2e: {  	s3 =	simm.s32 @!p0 $0x1082;
	s9 =	sld [smem:$0x3FB7]  }
0x2f: {  	lr =	sadd.s32 s0, s3;
	s0 =	sld [smem:$0x3FAE]  }
0x30: {  	s3 =	sld [smem:$0x3FB1]  }
0x31: {  	[smem:$0x3FBA] =	sst s10  }
0x32: {  	s10 =	sld [smem:$0x3FB8];
	_ =	sdelay $0x3  }
0x33: {  	p0 =	seq.s32 s10, $0x1;
	s10 =	sld [smem:$0x3FBA];
	_ =	sdelay $0x3  }
0x34: {  	[smem:$0x3FBA] =	sst s10  }
0x35: {  	s10 =	sld [smem:$0x3FB9];
	_ =	sdelay $0x3  }
0x36: {  	p1 =	seq.s32 s10, $0x1;
	s10 =	sld [smem:$0x3FBA];
	_ =	sdelay $0x3  }
0x37: {  	[smem:$0x3FBA] =	sst s10  }
0x38: {  	s10 =	sld [smem:$0x3FBB]  }
0x39: {  	_ = 	snop;
	(pc) =	sbr.ind lr, $3  }
0x3a: {  	_ = 	snop  }
0x3b: {  	_ = 	snop  }
0x3c: {  	p2 =	seq.s32 s10, $0x1;
	s10 =	sld [smem:$0x3FBA]  }
0x3d: {  	_ =	shalt  }
0x3e: {  	_ =	shalt  }
0x3f: {  	_ =	shalt  }
0x40: {  	_ =	shalt  }
0x41: {  	_ =	shalt  }
0x42: {  	_ =	shalt  }
0x43: {  	_ =	shalt  }
0x44: {  	_ =	shalt  }
0x45: {  	_ =	shalt  }
0x46: {  	_ =	shalt  }
0x47: {  	_ =	shalt  }
0x48: {  	_ =	shalt  }
0x49: {  	_ =	shalt  }
0x4a: {  	_ =	shalt  }
0x4b: {  	_ =	shalt  }
0x4c: {  	_ =	shalt  }
0x4d: {  	_ =	shalt  }
0x4e: {  	_ =	shalt  }
0x4f: {  	_ =	shalt  }
0x50: {  	_ =	shalt  }
0x51: {  	_ =	shalt  }
0x52: {  	_ =	shalt  }
0x53: {  	_ =	shalt  }
0x54: {  	_ =	shalt  }
0x55: {  	_ =	shalt  }
0x56: {  	_ =	shalt  }
0x57: {  	_ =	shalt  }
0x58: {  	_ =	shalt  }
0x59: {  	_ =	shalt  }
0x5a: {  	_ =	shalt  }
0x5b: {  	_ =	shalt  }
0x5c: {  	_ =	shalt  }
0x5d: {  	_ =	shalt  }
0x5e: {  	_ =	shalt  }
0x5f: {  	_ =	shalt  }
0x60: {  	_ =	shalt  }
0x61: {  	_ =	shalt  }
0x62: {  	_ =	shalt  }
0x63: {  	_ =	shalt  }
0x64: {  	_ =	shalt  }
0x65: {  	_ =	shalt  }
0x66: {  	_ =	shalt  }
0x67: {  	_ =	shalt  }
0x68: {  	_ =	shalt  }
0x69: {  	_ =	shalt  }
0x6a: {  	_ =	shalt  }
0x6b: {  	_ =	shalt  }
0x6c: {  	_ =	shalt  }
0x6d: {  	_ =	shalt  }
0x6e: {  	_ =	shalt  }
0x6f: {  	_ =	shalt  }
0x70: {  	_ =	shalt  }
0x71: {  	_ =	shalt  }
0x72: {  	_ =	shalt  }
0x73: {  	_ =	shalt  }
0x74: {  	_ =	shalt  }
0x75: {  	_ =	shalt  }
0x76: {  	_ =	shalt  }
0x77: {  	_ =	shalt  }
0x78: {  	_ =	shalt  }
0x79: {  	_ =	shalt  }
0x7a: {  	_ =	shalt  }
0x7b: {  	_ =	shalt  }
0x7c: {  	_ =	shalt  }
0x7d: {  	_ =	shalt  }
0x7e: {  	_ =	shalt  }
0x7f: {  	_ =	shalt  }
0x80: {  	_ =	shalt  }
0x81: {  	_ =	shalt  }
0x82: {  	_ =	shalt  }
0x83: {  	_ =	shalt  }
0x84: {  	_ =	shalt  }
0x85: {  	_ =	shalt  }
0x86: {  	_ =	shalt  }
0x87: {  	_ =	shalt  }
.Lfunc_end0:
.L_simem_size_0:
called_computation.1_lowered:
.L_overlay_start_0:
0x88: {  	s2 =	sld [smem:$0x3FD9]  }
0x89: {  	s3 =	sld [smem:$0x3FFE];
	_ =	sdelay $0x1  }
0x8a: {  	s1 =	srdreg.scid  }
0x8b: {  	s0 =	sand.u32 $0x1, s1  }
0x8c: {  	s16 =	sshll.u32 s0, $0xA;
	s2 =	sadd.s32 s3, s2  }
0x8d: {  	s2 =	sadd.s32 s2, s16  }
0x8e: {  	[smem:$0x3FC6] =	sst s2  }
0x8f: {  	_ = 	snop  }
0x90: {  	(tm) =	ssettm $0x1  }
0x91: {  	s17 =	sld [smem:$0x3FFB];
	_ =	sdelay $0x3  }
0x92: {  	_ =	strace s17  }
0x93: {  	s2 =	sld [smem:$0x3FFC];
	_ =	sdelay $0x3  }
0x94: {  	_ =	strace s2  }
0x95: {  	s2 =	sld [smem:$0x3FFD];
	_ =	sdelay $0x3  }
0x96: {  	_ =	strace s2  }
0x97: {  	_ =	strace $0x8FFFFFFF  }
0x98: {  	s18 =	sld [smem:$0x3FDB];
	_ =	sdelay $0x1  }
0x99: {  	s19 =	simm.s32 $_scs_section_size  }
0x9a: {  	s4 =	simm.s32 $_size__tile_overlayer_lowered;
	s5 =	simm.s32 $_tile_overlayer_lowered  }
0x9b: {  	s22 =	simm.s32 $0x1BFF;
	s21 =	sshll.u32 s5, $0x1;
	s2 =	sadd.s32 s19, s18  }
0x9c: {  	s6 =	simm.s32 $0x0;
	s20 =	sshll.u32 s4, $0x1;
	s4 =	sadd.s32 s21, s2  }
0x9d: {  	[timem:s6], [sflag:s22] =	dma.local [hbm:s4], s20  }
0x9e: {  	_ =	swait.ge [sflag:s22], s20  }
0x9f: {  	s3 =	ssub.s32 $0x0, s20;
	[sflag:s22] =	ssyncset.done $0x0  }
0xa0: {  	[sflag:s22] =	ssyncadd.s32 s3;
	_ =	sdelay $0x1  }
0xa1: {  	s23 =	simm.s32 $0x1B8B  }
0xa2: {  	_ =	swait.ge [sflag:s23], $0x1  }
0xa3: {  	[sflag:s23] =	ssyncset.done $0x0  }
0xa4: {  	s25 =	simm.s32 $0x1B8E;
	s24 =	sld [smem:$0x3FFE];
	[sflag:s23] =	ssyncadd.s32 $0xFFFFFFFF  }
0xa5: {  	s26 =	simm.s32 $execute0_lowered;
	[smem:$0x3FD2] =	sst s25  }
0xa6: {  	s4 =	sshll.u32 s26, $0x1;
	_ =	strace $0x80000049;
	[dreg:$0x1] =	wrdreg $0xFFFFFFFF  }
0xa7: {  	s28 =	simm.s32 $_size_execute0_lowered;
	s2 =	sadd.s32 s2, s4;
	[dreg:$0x0] =	wrdreg $0x0  }
0xa8: {  	s4 =	sshll.u32 s28, $0x1;
	[dreg:$0x2] =	wrdreg s2  }
0xa9: {  	[dreg:$0x3] =	wrdreg s4  }
0xaa: {  	[dreg:$0x4] =	wrdreg $0xC0  }
0xab: {  	_ =	task [dreg:s6], $0x5FFFF  }
0xac: {  	[dreg:$0x1] =	wrdreg $0xFFFFFFFF  }
0xad: {  	[dreg:$0x0] =	wrdreg $0x60  }
0xae: {  	[dreg:$0x2] =	wrdreg s24  }
0xaf: {  	[dreg:$0x3] =	wrdreg $0x9  }
0xb0: {  	_ =	task.clear_ibuf [dreg:s6], $0x4FFFF;
	_ =	strace $0x90000049  }
0xb1: {  	s29 =	simm.s32 $0x9;
	_ =	strace $0x8000004B  }
0xb2: {  	_ =	swait.ge [sflag:s29], $0x1  }
0xb3: {  	[sflag:s29] =	ssyncadd.s32 $0xFFFFFFFF  }
0xb4: {  	_ =	strace $0x9000004B  }
0xb5: {  	_ =	sfence  }
0xb6: {  	s30 =	sld [smem:$0x0];
	_ =	sdelay $0x2  }
0xb7: {  	s31 =	sshll.u32 s1, $0xD;
	s1 =	sshrl.u32 s1, $0x2  }
0xb8: {  	s3 =	sand.u32 $0x4000, s31;
	s1 =	sadd.s32 s1, s30  }
0xb9: {  	s0 =	sor.u32 s3, s0;
	s1 =	sshll.u32 s1, $0x11  }
0xba: {  	s0 =	sor.u32 s1, s0  }
0xbb: {  	s0 =	sadd.s32 $0x8F2B, s0  }
0xbc: {  	[sflag:s0] =	ssyncadd.remote.s32 $0x1  }
0xbd: {  	_ =	sfence.sel $0xFFFF  }
0xbe: {  	[dreg:$0x0] =	wrdreg $0xFFFFFFFF;
	(pc) =	sbr.abs _section_cstart, $3  }
0xbf: {  	[dreg:$0x1] =	wrdreg $0xFFFFFFFF  }
0xc0: {  	_ =	task.clear_ibuf [dreg:s6], $0x2FFFF;
	_ =	strace $0x9FFFFFFF  }
0xc1: {  	(tm) =	ssettm $0x7FFFFFFF  }
tec
execute0_lowered:
.L_overlay_start_1:
0x0: {  	(tag) =	ssettag $0x1  }
0x1: {  	s8 =	rddreg [dreg:$0x0];
	s2 =	srdreg.scid  }
0x2: {  	s0 =	rddreg [dreg:$0x1];
	s1 =	stileid.u32;
	s14 =	sand.u32 $0x1, s2  }
0x3: {  	s2 =	simm.s32 $0x0;
	s3 =	sshll.u32 s1, $0x7;
	s4 =	sshll.u32 s14, $0x6  }
0x4: {  	s13 =	sadd.s32 $0x400E00, s8;
	[smem:$0x7FF] =	sst s2;
	s15 =	sor.u32 s4, s3  }
0x5: {  	_ =	strace $0x8000004A;
	s3 =	simm.s32 $0x2;
	s4 =	sadd.s32 s13, s15  }
0x6: {  	[tilespmem:s2], [sflag:$0x2] =	stream.linear.gather [hbm4b:s4+s2], $0x80, $0x38;
	[tilespmem:$0x100] =	vst v63  }
0x7: {  	_ =	swait.ge [sflag:s3], $0x80  }
0x8: {  	s6 =	simm.s32 $0x80;
	[sflag:s3] =	ssyncset.done $0x0  }
0x9: {  	s7 =	simm.s32 $0x1;
	s5 =	sadd.s32 $0xE00, s8;
	[sflag:s3] =	ssyncadd.s32 $0xFFFFFF80  }
0xa: {  	[tilespmem:s6], [sflag:$0x1] =	stream.indirect.gather [hbm4b:s5+s6], $0x1, s2, s6, $0xb8;
	[tilespmem:$0x100] =	vst v63  }
0xb: {  	_ =	swait.ge [sflag:s7], $0x80  }
0xc: {  	s16 =	sadd.s32 $0x401600, s8;
	[sflag:s7] =	ssyncset.done $0x0  }
0xd: {  	s8 =	sadd.s32 s16, s15;
	[sflag:s7] =	ssyncadd.s32 $0xFFFFFF80  }
0xe: {  	[hbm4b:s8+s2] =	stream.linear.scatter [tilespmem:s6], [sflag:$0x2], $0x80, $0x38;
	[tilespmem:$0x100] =	vst v63  }
0xf: {  	_ =	swait.ge [sflag:s3], $0x80  }
0x10: {  	s10 =	sor.u32 $0x10, s15;
	[sflag:s3] =	ssyncset.done $0x0  }
0x11: {  	s9 =	sadd.s32 s13, s10;
	[sflag:s3] =	ssyncadd.s32 $0xFFFFFF80  }
0x12: {  	[tilespmem:s2], [sflag:$0x2] =	stream.linear.gather [hbm4b:s9+s2], $0x80, $0x38;
	[tilespmem:$0x100] =	vst v63  }
0x13: {  	_ =	swait.ge [sflag:s3], $0x80  }
0x14: {  	[sflag:s3] =	ssyncset.done $0x0  }
0x15: {  	[sflag:s3] =	ssyncadd.s32 $0xFFFFFF80  }
0x16: {  	[tilespmem:s6], [sflag:$0x1] =	stream.indirect.gather [hbm4b:s5+s6], $0x1, s2, s6, $0xb8;
	[tilespmem:$0x100] =	vst v63  }
0x17: {  	_ =	swait.ge [sflag:s7], $0x80  }
0x18: {  	[sflag:s7] =	ssyncset.done $0x0  }
0x19: {  	s10 =	sadd.s32 s16, s10;
	[sflag:s7] =	ssyncadd.s32 $0xFFFFFF80  }
0x1a: {  	[hbm4b:s10+s2] =	stream.linear.scatter [tilespmem:s6], [sflag:$0x2], $0x80, $0x38;
	[tilespmem:$0x100] =	vst v63  }
0x1b: {  	_ =	swait.ge [sflag:s3], $0x80  }
0x1c: {  	s12 =	sor.u32 $0x20, s15;
	[sflag:s3] =	ssyncset.done $0x0  }
0x1d: {  	s11 =	sadd.s32 s13, s12;
	[sflag:s3] =	ssyncadd.s32 $0xFFFFFF80  }
0x1e: {  	[tilespmem:s2], [sflag:$0x2] =	stream.linear.gather [hbm4b:s11+s2], $0x80, $0x38;
	[tilespmem:$0x100] =	vst v63  }
0x1f: {  	_ =	swait.ge [sflag:s3], $0x80  }
0x20: {  	[sflag:s3] =	ssyncset.done $0x0  }
0x21: {  	[sflag:s3] =	ssyncadd.s32 $0xFFFFFF80  }
0x22: {  	[tilespmem:s6], [sflag:$0x1] =	stream.indirect.gather [hbm4b:s5+s6], $0x1, s2, s6, $0xb8;
	[tilespmem:$0x100] =	vst v63  }
0x23: {  	_ =	swait.ge [sflag:s7], $0x80  }
0x24: {  	[sflag:s7] =	ssyncset.done $0x0  }
0x25: {  	s12 =	sadd.s32 s16, s12;
	[sflag:s7] =	ssyncadd.s32 $0xFFFFFF80  }
0x26: {  	[hbm4b:s12+s2] =	stream.linear.scatter [tilespmem:s6], [sflag:$0x2], $0x80, $0x38;
	[tilespmem:$0x100] =	vst v63  }
0x27: {  	_ =	swait.ge [sflag:s3], $0x80  }
0x28: {  	s15 =	sor.u32 $0x30, s15;
	[sflag:s3] =	ssyncset.done $0x0  }
0x29: {  	s14 =	ssub.s32 $0x2, s14;
	s13 =	sadd.s32 s13, s15;
	[sflag:s3] =	ssyncadd.s32 $0xFFFFFF80  }
0x2a: {  	[tilespmem:s2], [sflag:$0x2] =	stream.linear.gather [hbm4b:s13+s2], $0x80, $0x38;
	[tilespmem:$0x100] =	vst v63  }
0x2b: {  	s17 =	sshrl.u32 s14, $0x1;
	_ =	swait.ge [sflag:s3], $0x80  }
0x2c: {  	s17 =	ssub.s32 s14, s17;
	[sflag:s3] =	ssyncset.done $0x0  }
0x2d: {  	s31 =	smax.u32 s17, $0x1;
	[sflag:s3] =	ssyncadd.s32 $0xFFFFFF80  }
0x2e: {  	[tilespmem:s6], [sflag:$0x1] =	stream.indirect.gather [hbm4b:s5+s6], $0x1, s2, s6, $0xb8;
	[tilespmem:$0x100] =	vst v63  }
0x2f: {  	p0 =	sne.s32 s31, $0x1;
	_ =	swait.ge [sflag:s7], $0x80  }
.Ltmp0:
0x30: {  	[sflag:s7] =	ssyncset.done $0x0;
	(pc) =	sbr.rel @!p0 .LBB2_2-.Ltmp0, $4  }
0x31: {  	s14 =	sadd.s32 s16, s15;
	[sflag:s7] =	ssyncadd.s32 $0xFFFFFF80  }
0x32: {  	[hbm4b:s14+s2] =	stream.linear.scatter [tilespmem:s6], [sflag:$0x2], $0x80, $0x38;
	[tilespmem:$0x100] =	vst v63  }
0x33: {  	_ =	swait.ge [sflag:s3], $0x80  }
0x34: {  	s15 =	sadd.s32 $0xFFFFFFFF, s31;
	[sflag:s3] =	ssyncset.done $0x0  }
.LBB2_1:
0x35: {  	p0 =	sne.s32 s15, $0x1;
	s15 =	sadd.s32 $0xFFFFFFFF, s15;
	[sflag:s3] =	ssyncadd.s32 $0xFFFFFF80  }
0x36: {  	[tilespmem:s2], [sflag:$0x2] =	stream.linear.gather [hbm4b:s4+s2], $0x80, $0x38;
	[tilespmem:$0x100] =	vst v63  }
0x37: {  	_ =	swait.ge [sflag:s3], $0x80  }
0x38: {  	[sflag:s3] =	ssyncset.done $0x0  }
0x39: {  	[sflag:s3] =	ssyncadd.s32 $0xFFFFFF80  }
0x3a: {  	[tilespmem:s6], [sflag:$0x1] =	stream.indirect.gather [hbm4b:s5+s6], $0x1, s2, s6, $0xb8;
	[tilespmem:$0x100] =	vst v63  }
0x3b: {  	_ =	swait.ge [sflag:s7], $0x80  }
0x3c: {  	[sflag:s7] =	ssyncset.done $0x0  }
0x3d: {  	[sflag:s7] =	ssyncadd.s32 $0xFFFFFF80  }
0x3e: {  	[hbm4b:s8+s2] =	stream.linear.scatter [tilespmem:s6], [sflag:$0x2], $0x80, $0x38;
	[tilespmem:$0x100] =	vst v63  }
0x3f: {  	_ =	swait.ge [sflag:s3], $0x80  }
0x40: {  	[sflag:s3] =	ssyncset.done $0x0  }
0x41: {  	[sflag:s3] =	ssyncadd.s32 $0xFFFFFF80  }
0x42: {  	[tilespmem:s2], [sflag:$0x2] =	stream.linear.gather [hbm4b:s9+s2], $0x80, $0x38;
	[tilespmem:$0x100] =	vst v63  }
0x43: {  	_ =	swait.ge [sflag:s3], $0x80  }
0x44: {  	[sflag:s3] =	ssyncset.done $0x0  }
0x45: {  	[sflag:s3] =	ssyncadd.s32 $0xFFFFFF80  }
0x46: {  	[tilespmem:s6], [sflag:$0x1] =	stream.indirect.gather [hbm4b:s5+s6], $0x1, s2, s6, $0xb8;
	[tilespmem:$0x100] =	vst v63  }
0x47: {  	_ =	swait.ge [sflag:s7], $0x80  }
0x48: {  	[sflag:s7] =	ssyncset.done $0x0  }
0x49: {  	[sflag:s7] =	ssyncadd.s32 $0xFFFFFF80  }
0x4a: {  	[hbm4b:s10+s2] =	stream.linear.scatter [tilespmem:s6], [sflag:$0x2], $0x80, $0x38;
	[tilespmem:$0x100] =	vst v63  }
0x4b: {  	_ =	swait.ge [sflag:s3], $0x80  }
0x4c: {  	[sflag:s3] =	ssyncset.done $0x0  }
0x4d: {  	[sflag:s3] =	ssyncadd.s32 $0xFFFFFF80  }
0x4e: {  	[tilespmem:s2], [sflag:$0x2] =	stream.linear.gather [hbm4b:s11+s2], $0x80, $0x38;
	[tilespmem:$0x100] =	vst v63  }
0x4f: {  	_ =	swait.ge [sflag:s3], $0x80  }
0x50: {  	[sflag:s3] =	ssyncset.done $0x0  }
0x51: {  	[sflag:s3] =	ssyncadd.s32 $0xFFFFFF80  }
0x52: {  	[tilespmem:s6], [sflag:$0x1] =	stream.indirect.gather [hbm4b:s5+s6], $0x1, s2, s6, $0xb8;
	[tilespmem:$0x100] =	vst v63  }
0x53: {  	_ =	swait.ge [sflag:s7], $0x80  }
0x54: {  	[sflag:s7] =	ssyncset.done $0x0  }
0x55: {  	[sflag:s7] =	ssyncadd.s32 $0xFFFFFF80  }
0x56: {  	[hbm4b:s12+s2] =	stream.linear.scatter [tilespmem:s6], [sflag:$0x2], $0x80, $0x38;
	[tilespmem:$0x100] =	vst v63  }
0x57: {  	_ =	swait.ge [sflag:s3], $0x80  }
0x58: {  	[sflag:s3] =	ssyncset.done $0x0  }
0x59: {  	[sflag:s3] =	ssyncadd.s32 $0xFFFFFF80  }
0x5a: {  	[tilespmem:s2], [sflag:$0x2] =	stream.linear.gather [hbm4b:s13+s2], $0x80, $0x38;
	[tilespmem:$0x100] =	vst v63  }
0x5b: {  	_ =	swait.ge [sflag:s3], $0x80  }
0x5c: {  	[sflag:s3] =	ssyncset.done $0x0  }
0x5d: {  	[sflag:s3] =	ssyncadd.s32 $0xFFFFFF80  }
0x5e: {  	[tilespmem:s6], [sflag:$0x1] =	stream.indirect.gather [hbm4b:s5+s6], $0x1, s2, s6, $0xb8;
	[tilespmem:$0x100] =	vst v63  }
0x5f: {  	_ =	swait.ge [sflag:s7], $0x80  }
.Ltmp1:
0x60: {  	[sflag:s7] =	ssyncset.done $0x0;
	(pc) =	sbr.rel @p0 .LBB2_1-.Ltmp1, $4  }
0x61: {  	[sflag:s7] =	ssyncadd.s32 $0xFFFFFF80  }
0x62: {  	[hbm4b:s14+s2] =	stream.linear.scatter [tilespmem:s6], [sflag:$0x2], $0x80, $0x38;
	[tilespmem:$0x100] =	vst v63  }
0x63: {  	_ =	swait.ge [sflag:s3], $0x80  }
0x64: {  	[sflag:s3] =	ssyncset.done $0x0  }
.LBB2_2:
0x65: {  	[sflag:s3] =	ssyncadd.s32 $0xFFFFFF80  }
0x66: {  	_ =	sfence.sel $0x180000  }
0x67: {  	[bflag:$0x0] =	sbarrier.arrive $0xFFFF  }
0x68: {  	p0 =	sne.s32 s1, $0x0;
	_ =	strace $0x9000004A  }
0x69: {  	s0 =	sadd.s32 @!p0 $0x100000, s0;
	[bflag:$0x2] =	sbarrier.arrive $0xFFFF  }
0x6a: {  	[sflag:s0] =	ssyncadd.tile.s32 @!p0 $0x1;
	_ =	shalt  }
.Lfunc_end2:
_tile_overlayer_lowered:
.L_overlay_start_2:
0x6b: {  	(tag) =	ssettag $0x2  }
0x6c: {  	s0 =	rddreg [dreg:$0x0];
	s2 =	stileid.u32  }
0x6d: {  	s1 =	rddreg [dreg:$0x1];
	p0 =	sne.s32 s2, $0x0  }
0x6e: {  	s3 =	rddreg [dreg:$0x2];
	[bflag:$0x3] =	sbarrier.arrive $0xFFFF;
	s2 =	simm.s32 @!p0 $0x1C02  }
0x6f: {  	[timem:s3], [sflag:s2] =	dma.local @!p0 [hbm:s0], s1  }
0x70: {  	s0 =	simm.s32 @!p0 $0x2  }
0x71: {  	_ =	swait.ge @!p0 [sflag:s0], s1  }
0x72: {  	s1 =	ssub.s32 @!p0 $0x0, s1;
	[sflag:s0] =	ssyncset.done @!p0 $0x0  }
0x73: {  	[sflag:s0] =	ssyncadd.s32 @!p0 s1  }
0x74: {  	[bflag:$0x3] =	sbarrier.arrive $0xFFFF  }
0x75: {  	_ =	shalt  }

// kernel: sparse-core-data-format-call.cloned.1.call-start
scs
called_computation_lowered:
.L_overlay_start_0:
0x0: {  	s2 =	sld [smem:$0x3FD9]  }
0x1: {  	s3 =	sld [smem:$0x3FFE];
	_ =	sdelay $0x1  }
0x2: {  	s1 =	srdreg.scid  }
0x3: {  	s0 =	sand.u32 $0x1, s1  }
0x4: {  	s18 =	sshll.u32 s0, $0xA;
	s2 =	sadd.s32 s3, s2  }
0x5: {  	s2 =	sadd.s32 s2, s18  }
0x6: {  	[smem:$0x3FC6] =	sst s2  }
0x7: {  	_ = 	snop  }
0x8: {  	s2 =	sld [smem:$0x3FC8];
	(tm) =	ssettm $0x1  }
0x9: {  	s19 =	sld [smem:$0x3FFB];
	_ =	sdelay $0x3  }
0xa: {  	_ =	strace s19  }
0xb: {  	s3 =	sld [smem:$0x3FFC];
	_ =	sdelay $0x3  }
0xc: {  	_ =	strace s3  }
0xd: {  	s3 =	sld [smem:$0x3FFD];
	_ =	sdelay $0x3  }
0xe: {  	_ =	strace s3  }
0xf: {  	_ =	strace $0x8FFFFFFF  }
0x10: {  	s20 =	sld [smem:$0x3FDB];
	_ =	sdelay $0x1  }
0x11: {  	s4 =	simm.s32 $_scs_section_size  }
0x12: {  	s5 =	simm.s32 $_size__tile_overlayer_lowered;
	s6 =	simm.s32 $_tile_overlayer_lowered  }
0x13: {  	s23 =	simm.s32 $0x1BFF;
	s22 =	sshll.u32 s6, $0x1;
	s3 =	sadd.s32 s4, s20  }
0x14: {  	s7 =	simm.s32 $0x0;
	s21 =	sshll.u32 s5, $0x1;
	s5 =	sadd.s32 s22, s3  }
0x15: {  	[timem:s7], [sflag:s23] =	dma.local [hbm:s5], s21  }
0x16: {  	_ =	swait.ge [sflag:s23], s21  }
0x17: {  	s4 =	ssub.s32 $0x0, s21;
	[sflag:s23] =	ssyncset.done $0x0  }
0x18: {  	[sflag:s23] =	ssyncadd.s32 s4;
	_ =	sdelay $0x1  }
0x19: {  	s24 =	simm.s32 $0x1B8B  }
0x1a: {  	_ =	swait.ge [sflag:s24], $0x1  }
0x1b: {  	[sflag:s24] =	ssyncset.done $0x0  }
0x1c: {  	s26 =	simm.s32 $0x1B8E;
	s25 =	sld [smem:$0x3FFE];
	[sflag:s24] =	ssyncadd.s32 $0xFFFFFFFF  }
0x1d: {  	s27 =	simm.s32 $execute0_lowered;
	[smem:$0x3FD2] =	sst s26  }
0x1e: {  	s5 =	sshll.u32 s27, $0x1;
	_ =	strace $0x80000046;
	[dreg:$0x1] =	wrdreg $0xFFFFFFFF  }
0x1f: {  	s28 =	simm.s32 $_size_execute0_lowered;
	s3 =	sadd.s32 s3, s5;
	[dreg:$0x0] =	wrdreg $0x0  }
0x20: {  	s5 =	sshll.u32 s28, $0x1;
	[dreg:$0x2] =	wrdreg s3  }
0x21: {  	[dreg:$0x3] =	wrdreg s5  }
0x22: {  	[dreg:$0x4] =	wrdreg $0xC0  }
0x23: {  	_ =	task [dreg:s7], $0x5FFFF  }
0x24: {  	[dreg:$0x1] =	wrdreg $0xFFFFFFFF  }
0x25: {  	[dreg:$0x0] =	wrdreg $0x60  }
0x26: {  	[dreg:$0x2] =	wrdreg s2  }
0x27: {  	[dreg:$0x3] =	wrdreg s25  }
0x28: {  	[dreg:$0x4] =	wrdreg $0x9  }
0x29: {  	_ =	task.clear_ibuf [dreg:s7], $0x5FFFF;
	_ =	strace $0x90000046  }
0x2a: {  	s29 =	simm.s32 $0x9;
	_ =	strace $0x80000048  }
0x2b: {  	_ =	swait.ge [sflag:s29], $0x1  }
0x2c: {  	[sflag:s29] =	ssyncadd.s32 $0xFFFFFFFF  }
0x2d: {  	_ =	strace $0x90000048  }
0x2e: {  	_ =	sfence  }
0x2f: {  	s30 =	sld [smem:$0x0];
	_ =	sdelay $0x2  }
0x30: {  	s31 =	sshll.u32 s1, $0xD;
	s1 =	sshrl.u32 s1, $0x2  }
0x31: {  	s3 =	sand.u32 $0x4000, s31;
	s1 =	sadd.s32 s1, s30  }
0x32: {  	s0 =	sor.u32 s3, s0;
	s1 =	sshll.u32 s1, $0x11  }
0x33: {  	s0 =	sor.u32 s1, s0  }
0x34: {  	s0 =	sadd.s32 $0x8F2B, s0  }
0x35: {  	[sflag:s0] =	ssyncadd.remote.s32 $0x1  }
0x36: {  	_ =	sfence.sel $0xFFFF  }
0x37: {  	[dreg:$0x0] =	wrdreg $0xFFFFFFFF;
	(pc) =	sbr.abs _section_cstart, $3  }
0x38: {  	[dreg:$0x1] =	wrdreg $0xFFFFFFFF  }
0x39: {  	_ =	task.clear_ibuf [dreg:s7], $0x2FFFF;
	_ =	strace $0x9FFFFFFF  }
0x3a: {  	(tm) =	ssettm $0x7FFFFFFF  }
0x3b: {  	_ =	shalt  }
tec
execute0_lowered:
.L_overlay_start_1:
0x0: {  	(tag) =	ssettag $0x1  }
0x1: {  	s0 =	srdreg.scid  }
0x2: {  	s1 =	sshll.u32 s0, $0x4  }
0x3: {  	s2 =	rddreg [dreg:$0x0];
	s0 =	stileid.u32;
	s1 =	sand.u32 $0x10, s1  }
0x4: {  	s4 =	rddreg [dreg:$0x1];
	s7 =	simm.s32 $0x1;
	s1 =	sor.u32 s0, s1  }
0x5: {  	s8 =	simm.s32 $0x2;
	s9 =	simm.s32 $0x0;
	s3 =	sshll.u32 s1, $0x2  }
0x6: {  	s12 =	simm.s32 $0x0;
	s11 =	simm.s32 $0x0;
	s6 =	ssub.s32 $0x2000, s3  }
.Ltmp0:
0x7: {  	s4 =	sadd.s32 $0xE00, s4;
	s5 =	sand.u32 $0x7C, s6;
	(pc) =	sbr.rel .LBB1_1-.Ltmp0, $4  }
0x8: {  	s1 =	rddreg [dreg:$0x2];
	_ =	strace $0x80000047;
	p0 =	sne.s32 s5, $0x0  }
0x9: {  	s6 =	sshrl.u32 s6, $0x7;
	s5 =	simm.s32 $0x1;
	s7 =	simm.s32 @!p0 $0x0  }
0xa: {  	s10 =	smov.u32 s3;
	[sflag:s5] =	ssyncpa.u1 $0x0;
	s6 =	sadd.s32 s7, s6  }
0xb: {  	[sflag:s8] =	ssyncpa.u1 $0x0;
	s8 =	simm.s32 $0x0;
	s7 =	sadd.s32 $0x1, s6  }
.LBB1_9:
0xc: {  	s14 =	sadd.s32 $0x80, s10  }
0xd: {  	p1 =	sgt.s32 s14, $0x1FFF  }
0xe: {  	s14 =	smov.u32 @p1 s3;
	p1 =	sne.s32 s11, s7  }
.Ltmp1:
0xf: {  	p0 =	slt.u32 s11, $0x2;
	(pc) =	sbr.rel @!p1 .LBB1_10-.Ltmp1, $4  }
0x10: {  	s13 =	simm.s32 @!p0 $0x2  }
0x11: {  	s15 =	sadd.s32 $0x1, s11;
	_ =	swait.ge @!p0 [sflag:s13], $0x4000  }
0x12: {  	s12 =	smov.u32 s10;
	s9 =	sadd.s32 $0x4000, s9;
	[sflag:s13] =	ssyncset.done @!p0 $0x0  }
0x13: {  	s11 =	smov.u32 s15;
	s10 =	smov.u32 s14;
	[sflag:s13] =	ssyncadd.s32 @!p0 $0xFFFFC000  }
.LBB1_1:
0x14: {  	p0 =	sge.u32 s11, s6  }
0x15: {  	s13 =	sxor.u32 @!p0 $0xFFFFFFFF, s11  }
0x16: {  	s31 =	sadd.s32 $0xFFFFFFFF, s11;
	s14 =	sshll.u32 @!p0 s10, $0x9;
	s13 =	sshll.u32 @!p0 s13, $0xE  }
0x17: {  	s15 =	simm.s32 @!p0 $0x0;
	s14 =	sadd.s32 @!p0 s2, s14;
	s13 =	sand.u32 @!p0 $0x4000, s13  }
0x18: {  	[tilespmem:s13], [sflag:$0x1] =	stream.linear.gather @!p0 [hbm4b:s14+s15], $0x4000, $0x38;
	[tilespmem:$0x10000] =	vst v63  }
0x19: {  	p0 =	sge.u32 s31, s6  }
.Ltmp2:
0x1a: {  	_ = 	snop;
	(pc) =	sbr.rel @p0 .LBB1_9-.Ltmp2, $1  }
0x1b: {  	_ =	sdelay $0x3  }
0x1c: {  	s14 =	sand.u32 $0x4000, s9  }
0x1d: {  	_ =	swait.ge [sflag:s5], $0x4000;
	s15 =	sshll.u32 s11, $0xE;
	s16 =	simm.s32 $0x0  }
0x1e: {  	s13 =	sor.u32 $0x40, s14;
	[sflag:s5] =	ssyncset.done $0x0;
	s15 =	sand.u32 $0x4000, s15  }
0x1f: {  	s14 =	sor.u32 $0x8040, s14;
	[sflag:s5] =	ssyncadd.s32 $0xFFFFC000;
	s15 =	sor.u32 $0x8000, s15  }
.LBB1_3:
0x20: {  	s17 =	smov.u32 s14;
	s18 =	smov.u32 s13;
	s19 =	simm.s32 $0x0  }
.LBB1_4:
0x21: {  	v0 =	vmov s17;
	v2 =	vld [tilespmem:s18+$0x30]  }
0x22: {  	v4 =	vld [tilespmem:s18+$0xFFFFFFD0]  }
0x23: {  	v6 =	vld [tilespmem:s18+$0xFFFFFFE0]  }
0x24: {  	v7 =	vld [tilespmem:s18+$0xFFFFFFF0]  }
0x25: {  	s20 =	simm.s32 $0x0;
	v1 =	vld [tilespmem:s18+$0x0]  }
0x26: {  	v3 =	vld [tilespmem:s18+$0x10];
	[tilespmem:v0+s20+$0x30 ss:$0x1] =	vst.idx.msk $0xffff, v2  }
0x27: {  	v5 =	vld [tilespmem:s18+$0x20];
	[tilespmem:v0+s20+$0xFFFFFFD0 ss:$0x1] =	vst.idx.msk $0xffff, v4  }
0x28: {  	s21 =	sadd.s32 $0x80, s18;
	v2 =	vld [tilespmem:s18+$0xFFFFFFC0];
	[tilespmem:v0+s20+$0xFFFFFFE0 ss:$0x1] =	vst.idx.msk $0xffff, v6  }
0x29: {  	s22 =	simm.s32 $0x800;
	s23 =	simm.s32 $0x1000;
	v4 =	vld [tilespmem:s21+$0x30];
	[tilespmem:v0+s20+$0xFFFFFFF0 ss:$0x1] =	vst.idx.msk $0xffff, v7  }
.LBB1_5:
0x2a: {  	p0 =	sne.s32 s23, $0x3800;
	v6 =	vld [tilespmem:s21+$0xFFFFFFD0];
	[tilespmem:v0+s20+$0x0 ss:$0x1] =	vst.idx.msk $0xffff, v1  }
0x2b: {  	v7 =	vld [tilespmem:s21+$0xFFFFFFE0];
	[tilespmem:v0+s20+$0x10 ss:$0x1] =	vst.idx.msk $0xffff, v3  }
0x2c: {  	v8 =	vld [tilespmem:s21+$0xFFFFFFF0];
	[tilespmem:v0+s20+$0x20 ss:$0x1] =	vst.idx.msk $0xffff, v5  }
.Ltmp3:
0x2d: {  	v1 =	vld [tilespmem:s21+$0x0];
	[tilespmem:v0+s20+$0xFFFFFFC0 ss:$0x1] =	vst.idx.msk $0xffff, v2;
	s20 =	sshra.s32 s22, $0x2;
	s22 =	smov.u32 s23;
	(pc) =	sbr.rel @p0 .LBB1_5-.Ltmp3, $4  }
0x2e: {  	v3 =	vld [tilespmem:s21+$0x10];
	[tilespmem:v0+s20+$0x30 ss:$0x1] =	vst.idx.msk $0xffff, v4  }
0x2f: {  	[tilespmem:v0+s20+$0xFFFFFFD0 ss:$0x1] =	vst.idx.msk $0xffff, v6;
	v5 =	vld [tilespmem:s21+$0x20]  }
0x30: {  	v2 =	vld [tilespmem:s21+$0xFFFFFFC0];
	[tilespmem:v0+s20+$0xFFFFFFE0 ss:$0x1] =	vst.idx.msk $0xffff, v7;
	s21 =	sadd.s32 $0x80, s21  }
0x31: {  	s23 =	sadd.s32 $0x800, s23;
	v4 =	vld [tilespmem:s21+$0x30];
	[tilespmem:v0+s20+$0xFFFFFFF0 ss:$0x1] =	vst.idx.msk $0xffff, v8  }
0x32: {  	_ =	sdelay $0x3  }
0x33: {  	v6 =	vld [tilespmem:s21+$0xFFFFFFD0];
	[tilespmem:v0+s20+$0x0 ss:$0x1] =	vst.idx.msk $0xffff, v1  }
0x34: {  	v58 =	vld [tilespmem:s21+$0xFFFFFFE0];
	[tilespmem:v0+s20+$0x10 ss:$0x1] =	vst.idx.msk $0xffff, v3  }
0x35: {  	v59 =	vld [tilespmem:s21+$0xFFFFFFF0];
	[tilespmem:v0+s20+$0x20 ss:$0x1] =	vst.idx.msk $0xffff, v5  }
0x36: {  	s22 =	sshra.s32 s22, $0x2;
	v60 =	vld [tilespmem:s21+$0x0];
	[tilespmem:v0+s20+$0xFFFFFFC0 ss:$0x1] =	vst.idx.msk $0xffff, v2  }
0x37: {  	v61 =	vld [tilespmem:s21+$0x10];
	[tilespmem:v0+s22+$0x30 ss:$0x1] =	vst.idx.msk $0xffff, v4  }
0x38: {  	v62 =	vld [tilespmem:s21+$0x20];
	s19 =	sadd.s32 $0x1, s19;
	[tilespmem:v0+s22+$0xFFFFFFD0 ss:$0x1] =	vst.idx.msk $0xffff, v6  }
0x39: {  	v63 =	vld [tilespmem:s21+$0xFFFFFFC0];
	p0 =	sne.s32 s19, $0x4;
	[tilespmem:v0+s22+$0xFFFFFFE0 ss:$0x1] =	vst.idx.msk $0xffff, v58  }
.Ltmp4:
0x3a: {  	[tilespmem:v0+s22+$0xFFFFFFF0 ss:$0x1] =	vst.idx.msk $0xffff, v59;
	(pc) =	sbr.rel @p0 .LBB1_4-.Ltmp4, $4  }
0x3b: {  	[tilespmem:v0+s22+$0x0 ss:$0x1] =	vst.idx.msk $0xffff, v60  }
0x3c: {  	[tilespmem:v0+s22+$0x10 ss:$0x1] =	vst.idx.msk $0xffff, v61  }
0x3d: {  	[tilespmem:v0+s22+$0x20 ss:$0x1] =	vst.idx.msk $0xffff, v62  }
0x3e: {  	s18 =	sadd.s32 $0x400, s18;
	s17 =	sadd.s32 $0x80, s17;
	[tilespmem:v0+s22+$0xFFFFFFC0 ss:$0x1] =	vst.idx.msk $0xffff, v63  }
0x3f: {  	s16 =	sadd.s32 $0x1, s16  }
0x40: {  	p0 =	sne.s32 s16, $0x4  }
.Ltmp5:
0x41: {  	_ = 	snop;
	(pc) =	sbr.rel @p0 .LBB1_3-.Ltmp5, $2  }
0x42: {  	_ =	sdelay $0x2  }
0x43: {  	s13 =	sadd.s32 $0x1000, s13;
	s14 =	sadd.s32 $0x1000, s14  }
.Ltmp6:
0x44: {  	(pc) =	sbr.rel .LBB1_9-.Ltmp6, $4  }
0x45: {  	_ = 	snop  }
0x46: {  	s12 =	sshll.u32 s12, $0x9  }
0x47: {  	s12 =	sadd.s32 s4, s12  }
0x48: {  	[hbm4b:s12+s8] =	stream.linear.scatter [tilespmem:s15], [sflag:$0x2], $0x4000, $0x38;
	[tilespmem:$0x10000] =	vst v63  }
.LBB1_10:
0x49: {  	_ =	sfence.sel $0x180000  }
0x4a: {  	s2 =	simm.s32 $0x1;
	[bflag:$0x0] =	sbarrier.arrive $0xFFFF  }
0x4b: {  	s31 =	simm.s32 $0x2;
	[sflag:s2] =	ssyncpa.u1 $0x1  }
0x4c: {  	[sflag:s31] =	ssyncpa.u1 $0x1  }
0x4d: {  	p0 =	sne.s32 s0, $0x0;
	_ =	strace $0x90000047  }
0x4e: {  	s0 =	sadd.s32 @!p0 $0x100000, s1;
	[bflag:$0x2] =	sbarrier.arrive $0xFFFF  }
0x4f: {  	[sflag:s0] =	ssyncadd.tile.s32 @!p0 $0x1;
	_ =	shalt  }
.Lfunc_end1:
_tile_overlayer_lowered:
.L_overlay_start_2:
0x50: {  	(tag) =	ssettag $0x2  }
0x51: {  	s0 =	rddreg [dreg:$0x0];
	s2 =	stileid.u32  }
0x52: {  	s1 =	rddreg [dreg:$0x1];
	p0 =	sne.s32 s2, $0x0  }
0x53: {  	s3 =	rddreg [dreg:$0x2];
	[bflag:$0x3] =	sbarrier.arrive $0xFFFF;
	s2 =	simm.s32 @!p0 $0x1C01  }
0x54: {  	[timem:s3], [sflag:s2] =	dma.local @!p0 [hbm:s0], s1  }
0x55: {  	s0 =	simm.s32 @!p0 $0x1  }
0x56: {  	_ =	swait.ge @!p0 [sflag:s0], s1  }
0x57: {  	s1 =	ssub.s32 @!p0 $0x0, s1;
	[sflag:s0] =	ssyncset.done @!p0 $0x0  }
0x58: {  	[sflag:s0] =	ssyncadd.s32 @!p0 s1  }
0x59: {  	[bflag:$0x3] =	sbarrier.arrive $0xFFFF  }
0x5a: {  	_ =	shalt  }

</sc_bundles>
